<compile_context>
chip_gen: v7x
topology: tpu7x:2x2x1
jax: 0.10.2.dev20260603
libtpu: 0.0.44.dev20260713+nightly
codegen_flags: <defaults>
</compile_context>

<pallas_src>
import functools
import jax
import jax.numpy as jnp
import numpy as np
from jax import lax
from jax.experimental import pallas as pl
from jax.experimental.pallas import tpu as pltpu
from jax.experimental.pallas import tpu_sc as plsc

_NC = 2
_NS = 16
_L = 16
_OG = 8
_BG = 4
_CPB = 4


def _sc_body(f, g, opg, bc, nbv, xc_ref, cre_ref, gvec_ref, bvec_ref,
             out_ref, cv, xbuf, yv, gv, bv):
    wid = lax.axis_index("s") * _NC + lax.axis_index("c")
    og = lax.rem(wid, _OG)
    bg = lax.div(wid, _OG)

    pltpu.sync_copy(cre_ref.at[og], cv)
    pltpu.sync_copy(gvec_ref, gv)
    pltpu.sync_copy(bvec_ref, bv)

    ghead = gv[pl.ds(0, _L)]
    gtail = gv[pl.ds(g - _L, _L)]
    gmin = ghead[0]
    invh = (g - 1.0) / jnp.full((_L,), gtail[_L - 1] - gmin, jnp.float32)
    ob = og * opg
    bias_init = tuple(
        plsc.load_gather(bv, [jnp.full((_L,), ob + j, jnp.int32)])
        for j in range(opg))

    def f_body(fi, accs):
        xv = xbuf[pl.ds(fi * bc + f_body_base[0], _L)]
        u = (xv - gmin) * invh
        it = u.astype(jnp.int32)
        ic = it + jnp.where(u > it.astype(jnp.float32), 1, 0)
        idx = jnp.clip(ic, 1, g - 1)
        i0 = idx - 1
        t = u - i0.astype(jnp.float32)
        ib0 = i0 + fi * (g * opg)
        out = []
        for j in range(opg):
            c0 = plsc.load_gather(cv, [ib0 + j * g])
            c1 = plsc.load_gather(cv, [ib0 + (j * g + 1)])
            out.append(accs[j] + (c0 + t * (c1 - c0)))
        return tuple(out)

    f_body_base = [None]

    def bvec_body(bi, carry):
        bb = bi * _L
        f_body_base[0] = bb
        accs = lax.fori_loop(0, f, f_body, bias_init)
        for j in range(opg):
            yv[j, pl.ds(bb, _L)] = accs[j]
        return carry

    def chunk_body(ci, carry):
        cg = bg * _CPB + ci
        pltpu.sync_copy(xc_ref.at[cg], xbuf)
        lax.fori_loop(0, bc // _L, bvec_body, 0)
        pltpu.sync_copy(yv, out_ref.at[cg, og])
        return carry

    lax.fori_loop(0, _CPB, chunk_body, 0)


def _sc_kan(x, coeff, bias, grid):
    b, f = x.shape
    g = grid.shape[0]
    o = coeff.shape[-1]
    opg = o // _OG
    nch = _BG * _CPB
    bc = b // nch

    xc = x.reshape(nch, bc, f).transpose(0, 2, 1).reshape(nch, f * bc)
    cre = (coeff.astype(jnp.float32).reshape(f, g, _OG, opg)
           .transpose(2, 0, 3, 1).reshape(_OG, f * opg * g))
    gvec = grid.astype(jnp.float32)
    bvec = bias.astype(jnp.float32)

    mesh = plsc.VectorSubcoreMesh(core_axis_name="c", subcore_axis_name="s")
    run = functools.partial(
        pl.kernel,
        mesh=mesh,
        compiler_params=pltpu.CompilerParams(needs_layout_passes=False),
        out_type=jax.ShapeDtypeStruct((nch, _OG, opg, bc), jnp.float32),
        scratch_types=[
            pltpu.VMEM((f * g * opg,), jnp.float32),
            pltpu.VMEM((bc * f,), jnp.float32),
            pltpu.VMEM((opg, bc), jnp.float32),
            pltpu.VMEM((g,), jnp.float32),
            pltpu.VMEM((o,), jnp.float32),
        ],
    )(functools.partial(_sc_body, f, g, opg, bc, _OG * opg))
    yblk = run(xc, cre, gvec, bvec)
    return yblk.transpose(0, 3, 1, 2).reshape(b, o)


def _tc_body(nc, fc, g, o, x_ref, gvec_ref, glane_ref, creo_ref, cd_ref,
             bias_ref, o_ref):
    x = x_ref[...]
    gmin = gvec_ref[0, 0]
    gmax = gvec_ref[0, g - 1]
    invh = (g - 1.0) / (gmax - gmin)
    u = (x - gmin) * invh
    uc = jnp.clip(u, 0.0, g - 1.0)
    d = u - uc
    dneg = jnp.minimum(d, 0.0)
    dpos = d - dneg

    glane = glane_ref[...]
    lanes = fc * g
    acc = None
    for c in range(nc):
        ucc = uc[:, c * fc:(c + 1) * fc]
        uce = pltpu.repeat(ucc, g, axis=1)
        dd = (uce - glane).astype(jnp.bfloat16)
        s = jnp.maximum(jnp.bfloat16(1.0) - jnp.abs(dd), jnp.bfloat16(0.0))
        p = jnp.dot(s, creo_ref[c * lanes:(c + 1) * lanes, :],
                    preferred_element_type=jnp.float32)
        acc = p if acc is None else acc + p

    dcat = jnp.concatenate([dneg, dpos], axis=1)
    acc = acc + jnp.dot(dcat, cd_ref[...],
                        preferred_element_type=jnp.float32)
    o_ref[...] = acc + bias_ref[...]


def _tc_kan(x, coeff, bias, grid):
    b, f = x.shape
    g = grid.shape[0]
    o = coeff.shape[-1]

    fc = 16
    nc = f // fc
    lanes = fc * g
    bb = min(b, 1024)
    while b % bb:
        bb //= 2

    creo = coeff.astype(jnp.float32).reshape(nc, fc, g, o)
    creo = creo.transpose(0, 2, 1, 3).reshape(nc * g * fc, o)
    creo = creo.astype(jnp.bfloat16)
    cd = jnp.concatenate([coeff[:, 1, :] - coeff[:, 0, :],
                          coeff[:, g - 1, :] - coeff[:, g - 2, :]],
                         axis=0).astype(jnp.float32)
    glane = jnp.asarray(
        np.repeat(np.arange(g, dtype=np.float32), fc).reshape(1, lanes))
    gvec = grid.astype(jnp.float32).reshape(1, g)
    bias2 = bias.astype(jnp.float32).reshape(1, o)

    return pl.pallas_call(
        lambda *refs: _tc_body(nc, fc, g, o, *refs),
        grid=(b // bb,),
        in_specs=[
            pl.BlockSpec((bb, f), lambda i: (i, 0)),
            pl.BlockSpec((1, g), lambda i: (0, 0)),
            pl.BlockSpec((1, lanes), lambda i: (0, 0)),
            pl.BlockSpec((nc * g * fc, o), lambda i: (0, 0)),
            pl.BlockSpec((2 * f, o), lambda i: (0, 0)),
            pl.BlockSpec((1, o), lambda i: (0, 0)),
        ],
        out_specs=pl.BlockSpec((bb, o), lambda i: (i, 0)),
        out_shape=jax.ShapeDtypeStruct((b, o), jnp.float32),
    )(x, gvec, glane, creo, cd, bias2)


def kernel(x, coeff, bias, grid):
    x = x.astype(jnp.float32)
    if x.ndim != 2:
        x = x.reshape(x.shape[0], -1)
    b = x.shape[0]
    b_sc = b // 8
    b_sc -= b_sc % (_BG * _CPB * _L)
    if b_sc == 0:
        return _tc_kan(x, coeff, bias, grid)
    y_tc = _tc_kan(x[:b - b_sc], coeff, bias, grid)
    y_sc = _sc_kan(x[b - b_sc:], coeff, bias, grid)
    return jnp.concatenate([y_tc, y_sc], axis=0)

# --- scband reference (transcript-rebuilt; emitter-appended) ---
"""Pipeline reference for scband-kanlayer-89275190215542 (READ-ONLY COPY).

The authoritative reference and input builder live on the scoring server;
editing this copy changes nothing except your own understanding.
"""

import jax, jax.numpy as jnp
import numpy as np

IN_DIM = 128
OUT_DIM = 64
GRID_SIZE = 64
X_MIN = -3.0
X_MAX = 3.0
B = 4096


def setup_inputs(seed: int = 0) -> dict:
    key = jax.random.key(seed)
    k1, k2 = jax.random.split(key)
    x = jax.random.normal(k1, (B, IN_DIM), dtype=jnp.float32)
    coeff = jax.random.normal(k2, (IN_DIM, GRID_SIZE, OUT_DIM), dtype=jnp.float32) * 0.02
    bias = jnp.zeros((OUT_DIM,), dtype=jnp.float32)
    grid = jnp.linspace(X_MIN, X_MAX, GRID_SIZE, dtype=jnp.float32)
    return {"x": x, "coeff": coeff, "bias": bias, "grid": grid}


def reference(x, coeff, bias, grid):
    x = x.astype(jnp.float32)
    if x.ndim != 2:
        x = x.reshape(x.shape[0], -1)
    Bb, F = x.shape
    G = grid.shape[0]
    # torch.bucketize(x, g) with right=False == searchsorted side='left'
    idx = jnp.clip(jnp.searchsorted(grid, x, side="left"), 1, G - 1)
    g0 = grid[idx - 1]
    g1 = grid[idx]
    denom = jnp.maximum(g1 - g0, 1e-08)
    t = (x - g0) / denom
    w0 = (1.0 - t)[..., None]
    w1 = t[..., None]
    feat_idx = jnp.arange(F)[None, :]  # broadcasts against idx [B, F]
    c0 = coeff[feat_idx, idx - 1, :]  # gather -> [B, F, out_dim]
    c1 = coeff[feat_idx, idx, :]
    y = (w0 * c0 + w1 * c1).sum(axis=1) + bias
    return y

if __name__ == "__main__":
    import jax
    _d = setup_inputs()
    print(jax.jit(kernel)(*tuple(_d.values())))

</pallas_src>

<mosaic_0001>
#map = affine_map<(d0, d1) -> (0, 0)>
#map1 = affine_map<(d0, d1) -> (0)>
#map2 = affine_map<(d0, d1) -> (0, 0, 0, 0)>
module attributes {stable_mosaic.version = 14 : i64} {
  func.func @_sc_body(%arg0: i32, %arg1: i32, %arg2: memref<16x4096xf32, #tpu.memory_space<hbm>>, %arg3: memref<8x65536xf32, #tpu.memory_space<hbm>>, %arg4: memref<64xf32, #tpu.memory_space<hbm>>, %arg5: memref<64xf32, #tpu.memory_space<hbm>>, %arg6: memref<16x8x8x32xf32, #tpu.memory_space<hbm>>, %arg7: memref<65536xf32, #tpu.memory_space<vmem>>, %arg8: memref<4096xf32, #tpu.memory_space<vmem>>, %arg9: memref<8x32xf32, #tpu.memory_space<vmem>>, %arg10: memref<64xf32, #tpu.memory_space<vmem>>, %arg11: memref<64xf32, #tpu.memory_space<vmem>>) attributes {dimension_semantics = [#tpu.dimension_semantics<core_parallel>, #tpu.dimension_semantics<subcore_parallel>], iteration_bounds = array<i64: 2, 16>, scalar_prefetch = 0 : i64, scratch_operands = 5 : i64, tpu.core_type = #tpu.core_type<sc_vector_subcore>, window_params = [{transform_indices = #map}, {transform_indices = #map}, {transform_indices = #map1}, {transform_indices = #map1}, {transform_indices = #map2}]} {
    %mul3A = arith.constant 2 : i32
    %mul3A_0 = arith.muli %arg1, %mul3A : i32
    %add3A = arith.addi %mul3A_0, %arg0 : i32
    %rem3A = arith.constant 8 : i32
    %rem3A_1 = arith.remsi %add3A, %rem3A : i32
    %div3A = arith.constant 8 : i32
    %div3A_2 = arith.divsi %add3A, %div3A : i32
    "tpu.region"() ({
      %run_scoped3A = tpu.sem_alloc : memref<!tpu.dma_semaphore, #tpu.memory_space<semaphore_mem>>
      %dma_start3A = arith.constant 0 : i32
      %dma_start3A_49 = tpu.memref_slice %arg3[%rem3A_1, %dma_start3A] : memref<8x65536xf32, #tpu.memory_space<hbm>> -> memref<1x65536xf32, #tpu.memory_space<hbm>>
      %dma_start3A_50 = tpu.memref_squeeze %dma_start3A_49 : memref<1x65536xf32, #tpu.memory_space<hbm>> -> memref<65536xf32, #tpu.memory_space<hbm>>
      %dma_start3A_51 = arith.constant 0 : i32
      %dma_start3A_52 = tpu.memref_slice %arg3[%rem3A_1, %dma_start3A_51] : memref<8x65536xf32, #tpu.memory_space<hbm>> -> memref<1x65536xf32, #tpu.memory_space<hbm>>
      %dma_start3A_53 = tpu.memref_squeeze %dma_start3A_52 : memref<1x65536xf32, #tpu.memory_space<hbm>> -> memref<65536xf32, #tpu.memory_space<hbm>>
      tpu.enqueue_dma source(%dma_start3A_53 : memref<65536xf32, #tpu.memory_space<hbm>>) target(%arg7 : memref<65536xf32, #tpu.memory_space<vmem>>) target_semaphore(%run_scoped3A : memref<!tpu.dma_semaphore, #tpu.memory_space<semaphore_mem>>)
      %dma_wait3A = arith.constant 0 : i32
      %dma_wait3A_54 = tpu.memref_slice %arg3[%rem3A_1, %dma_wait3A] : memref<8x65536xf32, #tpu.memory_space<hbm>> -> memref<1x65536xf32, #tpu.memory_space<hbm>>
      %dma_wait3A_55 = tpu.memref_squeeze %dma_wait3A_54 : memref<1x65536xf32, #tpu.memory_space<hbm>> -> memref<65536xf32, #tpu.memory_space<hbm>>
      %dma_wait3A_56 = arith.constant 0 : i32
      %dma_wait3A_57 = tpu.memref_slice %arg3[%rem3A_1, %dma_wait3A_56] : memref<8x65536xf32, #tpu.memory_space<hbm>> -> memref<1x65536xf32, #tpu.memory_space<hbm>>
      %dma_wait3A_58 = tpu.memref_squeeze %dma_wait3A_57 : memref<1x65536xf32, #tpu.memory_space<hbm>> -> memref<65536xf32, #tpu.memory_space<hbm>>
      tpu.wait_dma2 semaphore(%run_scoped3A : memref<!tpu.dma_semaphore, #tpu.memory_space<semaphore_mem>>) src(%dma_wait3A_58 : memref<65536xf32, #tpu.memory_space<hbm>>) dst(%arg7 : memref<65536xf32, #tpu.memory_space<vmem>>)
      tpu.yield
    }) : () -> ()
    "tpu.region"() ({
      %run_scoped3A = tpu.sem_alloc : memref<!tpu.dma_semaphore, #tpu.memory_space<semaphore_mem>>
      tpu.enqueue_dma source(%arg4 : memref<64xf32, #tpu.memory_space<hbm>>) target(%arg10 : memref<64xf32, #tpu.memory_space<vmem>>) target_semaphore(%run_scoped3A : memref<!tpu.dma_semaphore, #tpu.memory_space<semaphore_mem>>)
      tpu.wait_dma2 semaphore(%run_scoped3A : memref<!tpu.dma_semaphore, #tpu.memory_space<semaphore_mem>>) src(%arg4 : memref<64xf32, #tpu.memory_space<hbm>>) dst(%arg10 : memref<64xf32, #tpu.memory_space<vmem>>)
      tpu.yield
    }) : () -> ()
    "tpu.region"() ({
      %run_scoped3A = tpu.sem_alloc : memref<!tpu.dma_semaphore, #tpu.memory_space<semaphore_mem>>
      tpu.enqueue_dma source(%arg5 : memref<64xf32, #tpu.memory_space<hbm>>) target(%arg11 : memref<64xf32, #tpu.memory_space<vmem>>) target_semaphore(%run_scoped3A : memref<!tpu.dma_semaphore, #tpu.memory_space<semaphore_mem>>)
      tpu.wait_dma2 semaphore(%run_scoped3A : memref<!tpu.dma_semaphore, #tpu.memory_space<semaphore_mem>>) src(%arg5 : memref<64xf32, #tpu.memory_space<hbm>>) dst(%arg11 : memref<64xf32, #tpu.memory_space<vmem>>)
      tpu.yield
    }) : () -> ()
    %get3A = arith.constant 0 : index
    %get3A_3 = tpu.vector_load %arg10[%get3A] {strides = array<i32>} : memref<64xf32, #tpu.memory_space<vmem>>, vector<16xf32>,
    %get3A_4 = arith.constant 48 : index
    %get3A_5 = tpu.vector_load %arg10[%get3A_4] {strides = array<i32>} : memref<64xf32, #tpu.memory_space<vmem>>, vector<16xf32>,
    %slice3A = vector.extract_strided_slice %get3A_3 {offsets = [0], sizes = [1], strides = [1]} : vector<16xf32> to vector<1xf32>
    %squeeze3A = vector.extract %slice3A[0] : f32 from vector<1xf32>
    %slice3A_6 = vector.extract_strided_slice %get3A_5 {offsets = [15], sizes = [1], strides = [1]} : vector<16xf32> to vector<1xf32>
    %squeeze3A_7 = vector.extract %slice3A_6[0] : f32 from vector<1xf32>
    %sub3A = arith.subf %squeeze3A_7, %squeeze3A : f32
    %broadcast_in_dim3A = vector.broadcast %sub3A : f32 to vector<16xf32>
    %div3A_8 = arith.constant 6.300000e+01 : f32
    %div3A_9 = vector.broadcast %div3A_8 : f32 to vector<16xf32>
    %div3A_10 = arith.divf %div3A_9, %broadcast_in_dim3A : vector<16xf32>
    %mul3A_11 = arith.constant 8 : i32
    %mul3A_12 = arith.muli %rem3A_1, %mul3A_11 : i32
    %add3A_13 = arith.constant 0 : i32
    %add3A_14 = arith.addi %mul3A_12, %add3A_13 : i32
    %broadcast_in_dim3A_15 = vector.broadcast %add3A_14 : i32 to vector<16xi32>
    %gather3A = tpu.vector_load_idx %arg11[%broadcast_in_dim3A_15] : memref<64xf32, #tpu.memory_space<vmem>>[vector<16xi32>], vector<16xf32>,
    %add3A_16 = arith.constant 1 : i32
    %add3A_17 = arith.addi %mul3A_12, %add3A_16 : i32
    %broadcast_in_dim3A_18 = vector.broadcast %add3A_17 : i32 to vector<16xi32>
    %gather3A_19 = tpu.vector_load_idx %arg11[%broadcast_in_dim3A_18] : memref<64xf32, #tpu.memory_space<vmem>>[vector<16xi32>], vector<16xf32>,
    %add3A_20 = arith.constant 2 : i32
    %add3A_21 = arith.addi %mul3A_12, %add3A_20 : i32
    %broadcast_in_dim3A_22 = vector.broadcast %add3A_21 : i32 to vector<16xi32>
    %gather3A_23 = tpu.vector_load_idx %arg11[%broadcast_in_dim3A_22] : memref<64xf32, #tpu.memory_space<vmem>>[vector<16xi32>], vector<16xf32>,
    %add3A_24 = arith.constant 3 : i32
    %add3A_25 = arith.addi %mul3A_12, %add3A_24 : i32
    %broadcast_in_dim3A_26 = vector.broadcast %add3A_25 : i32 to vector<16xi32>
    %gather3A_27 = tpu.vector_load_idx %arg11[%broadcast_in_dim3A_26] : memref<64xf32, #tpu.memory_space<vmem>>[vector<16xi32>], vector<16xf32>,
    %add3A_28 = arith.constant 4 : i32
    %add3A_29 = arith.addi %mul3A_12, %add3A_28 : i32
    %broadcast_in_dim3A_30 = vector.broadcast %add3A_29 : i32 to vector<16xi32>
    %gather3A_31 = tpu.vector_load_idx %arg11[%broadcast_in_dim3A_30] : memref<64xf32, #tpu.memory_space<vmem>>[vector<16xi32>], vector<16xf32>,
    %add3A_32 = arith.constant 5 : i32
    %add3A_33 = arith.addi %mul3A_12, %add3A_32 : i32
    %broadcast_in_dim3A_34 = vector.broadcast %add3A_33 : i32 to vector<16xi32>
    %gather3A_35 = tpu.vector_load_idx %arg11[%broadcast_in_dim3A_34] : memref<64xf32, #tpu.memory_space<vmem>>[vector<16xi32>], vector<16xf32>,
    %add3A_36 = arith.constant 6 : i32
    %add3A_37 = arith.addi %mul3A_12, %add3A_36 : i32
    %broadcast_in_dim3A_38 = vector.broadcast %add3A_37 : i32 to vector<16xi32>
    %gather3A_39 = tpu.vector_load_idx %arg11[%broadcast_in_dim3A_38] : memref<64xf32, #tpu.memory_space<vmem>>[vector<16xi32>], vector<16xf32>,
    %add3A_40 = arith.constant 7 : i32
    %add3A_41 = arith.addi %mul3A_12, %add3A_40 : i32
    %broadcast_in_dim3A_42 = vector.broadcast %add3A_41 : i32 to vector<16xi32>
    %gather3A_43 = tpu.vector_load_idx %arg11[%broadcast_in_dim3A_42] : memref<64xf32, #tpu.memory_space<vmem>>[vector<16xi32>], vector<16xf32>,
    %scan3A = arith.constant 0 : i32
    %scan3A_44 = arith.constant 0 : i32
    %scan3A_45 = arith.constant 4 : i32
    %scan3A_46 = arith.addi %scan3A_44, %scan3A_45 : i32
    %scan3A_47 = arith.constant 1 : i32
    scf.for %scan3A_49 = %scan3A_44 to %scan3A_46 step %scan3A_47  : i32 {
      %mul3A_50 = arith.constant 4 : i32
      %mul3A_51 = arith.muli %div3A_2, %mul3A_50 : i32
      %add3A_52 = arith.addi %mul3A_51, %scan3A_49 : i32
      "tpu.region"() ({
        %run_scoped3A = tpu.sem_alloc : memref<!tpu.dma_semaphore, #tpu.memory_space<semaphore_mem>>
        %dma_start3A = arith.constant 0 : i32
        %dma_start3A_59 = tpu.memref_slice %arg2[%add3A_52, %dma_start3A] : memref<16x4096xf32, #tpu.memory_space<hbm>> -> memref<1x4096xf32, #tpu.memory_space<hbm>>
        %dma_start3A_60 = tpu.memref_squeeze %dma_start3A_59 : memref<1x4096xf32, #tpu.memory_space<hbm>> -> memref<4096xf32, #tpu.memory_space<hbm>>
        %dma_start3A_61 = arith.constant 0 : i32
        %dma_start3A_62 = tpu.memref_slice %arg2[%add3A_52, %dma_start3A_61] : memref<16x4096xf32, #tpu.memory_space<hbm>> -> memref<1x4096xf32, #tpu.memory_space<hbm>>
        %dma_start3A_63 = tpu.memref_squeeze %dma_start3A_62 : memref<1x4096xf32, #tpu.memory_space<hbm>> -> memref<4096xf32, #tpu.memory_space<hbm>>
        tpu.enqueue_dma source(%dma_start3A_63 : memref<4096xf32, #tpu.memory_space<hbm>>) target(%arg8 : memref<4096xf32, #tpu.memory_space<vmem>>) target_semaphore(%run_scoped3A : memref<!tpu.dma_semaphore, #tpu.memory_space<semaphore_mem>>)
        %dma_wait3A = arith.constant 0 : i32
        %dma_wait3A_64 = tpu.memref_slice %arg2[%add3A_52, %dma_wait3A] : memref<16x4096xf32, #tpu.memory_space<hbm>> -> memref<1x4096xf32, #tpu.memory_space<hbm>>
        %dma_wait3A_65 = tpu.memref_squeeze %dma_wait3A_64 : memref<1x4096xf32, #tpu.memory_space<hbm>> -> memref<4096xf32, #tpu.memory_space<hbm>>
        %dma_wait3A_66 = arith.constant 0 : i32
        %dma_wait3A_67 = tpu.memref_slice %arg2[%add3A_52, %dma_wait3A_66] : memref<16x4096xf32, #tpu.memory_space<hbm>> -> memref<1x4096xf32, #tpu.memory_space<hbm>>
        %dma_wait3A_68 = tpu.memref_squeeze %dma_wait3A_67 : memref<1x4096xf32, #tpu.memory_space<hbm>> -> memref<4096xf32, #tpu.memory_space<hbm>>
        tpu.wait_dma2 semaphore(%run_scoped3A : memref<!tpu.dma_semaphore, #tpu.memory_space<semaphore_mem>>) src(%dma_wait3A_68 : memref<4096xf32, #tpu.memory_space<hbm>>) dst(%arg8 : memref<4096xf32, #tpu.memory_space<vmem>>)
        tpu.yield
      }) : () -> ()
      %scan3A_53 = arith.constant 0 : i32
      %scan3A_54 = arith.constant 0 : i32
      %scan3A_55 = arith.constant 2 : i32
      %scan3A_56 = arith.addi %scan3A_54, %scan3A_55 : i32
      %scan3A_57 = arith.constant 1 : i32
      scf.for %scan3A_59 = %scan3A_54 to %scan3A_56 step %scan3A_57  : i32 {
        %mul3A_60 = arith.constant 16 : i32
        %mul3A_61 = arith.muli %scan3A_59, %mul3A_60 : i32
        %scan3A_62 = arith.constant 0 : i32
        %scan3A_63 = arith.constant 128 : i32
        %scan3A_64 = arith.addi %scan3A_62, %scan3A_63 : i32
        %scan3A_65 = arith.constant 1 : i32
        %scan3A_66:8 = scf.for %scan3A_99 = %scan3A_62 to %scan3A_64 step %scan3A_65 iter_args(%scan3A_100 = %gather3A, %scan3A_101 = %gather3A_19, %scan3A_102 = %gather3A_23, %scan3A_103 = %gather3A_27, %scan3A_104 = %gather3A_31, %scan3A_105 = %gather3A_35, %scan3A_106 = %gather3A_39, %scan3A_107 = %gather3A_43) -> (vector<16xf32>, vector<16xf32>, vector<16xf32>, vector<16xf32>, vector<16xf32>, vector<16xf32>, vector<16xf32>, vector<16xf32>)  : i32 {
          %mul3A_108 = arith.constant 32 : i32
          %mul3A_109 = arith.muli %scan3A_99, %mul3A_108 : i32
          %add3A_110 = arith.addi %mul3A_109, %mul3A_61 : i32
          %get3A_111 = arith.index_cast %add3A_110 : i32 to index
          %get3A_112 = tpu.vector_load %arg8[%get3A_111] {strides = array<i32>} : memref<4096xf32, #tpu.memory_space<vmem>>, vector<16xf32>,
          %sub3A_113 = vector.broadcast %squeeze3A : f32 to vector<16xf32>
          %sub3A_114 = arith.subf %get3A_112, %sub3A_113 : vector<16xf32>
          %mul3A_115 = arith.mulf %sub3A_114, %div3A_10 : vector<16xf32>
          %convert_element_type3A = arith.fptosi %mul3A_115 : vector<16xf32> to vector<16xi32>
          %convert_element_type3A_116 = arith.sitofp %convert_element_type3A : vector<16xi32> to vector<16xf32>
          %gt3A = arith.cmpf ogt, %mul3A_115, %convert_element_type3A_116 : vector<16xf32>
          %jit3A = arith.constant 1 : i32
          %jit3A_117 = arith.constant 0 : i32
          %broadcast_in_dim3A_118 = vector.broadcast %jit3A : i32 to vector<16xi32>
          %broadcast_in_dim3A_119 = vector.broadcast %jit3A_117 : i32 to vector<16xi32>
          %select_n3A = arith.select %gt3A, %broadcast_in_dim3A_118, %broadcast_in_dim3A_119 : vector<16xi1>, vector<16xi32>
          %add3A_120 = arith.addi %convert_element_type3A, %select_n3A : vector<16xi32>
          %jit3A_121 = arith.constant 1 : i32
          %jit3A_122 = arith.constant 63 : i32
          %max3A = vector.broadcast %jit3A_121 : i32 to vector<16xi32>
          %max3A_123 = arith.maxsi %max3A, %add3A_120 : vector<16xi32>
          %min3A = vector.broadcast %jit3A_122 : i32 to vector<16xi32>
          %min3A_124 = arith.minsi %min3A, %max3A_123 : vector<16xi32>
          %sub3A_125 = arith.constant 1 : i32
          %sub3A_126 = vector.broadcast %sub3A_125 : i32 to vector<16xi32>
          %sub3A_127 = arith.subi %min3A_124, %sub3A_126 : vector<16xi32>
          %convert_element_type3A_128 = arith.sitofp %sub3A_127 : vector<16xi32> to vector<16xf32>
          %sub3A_129 = arith.subf %mul3A_115, %convert_element_type3A_128 : vector<16xf32>
          %mul3A_130 = arith.constant 512 : i32
          %mul3A_131 = arith.muli %scan3A_99, %mul3A_130 : i32
          %add3A_132 = vector.broadcast %mul3A_131 : i32 to vector<16xi32>
          %add3A_133 = arith.addi %sub3A_127, %add3A_132 : vector<16xi32>
          %add3A_134 = arith.constant 0 : i32
          %add3A_135 = vector.broadcast %add3A_134 : i32 to vector<16xi32>
          %add3A_136 = arith.addi %add3A_133, %add3A_135 : vector<16xi32>
          %gather3A_137 = tpu.vector_load_idx %arg7[%add3A_136] : memref<65536xf32, #tpu.memory_space<vmem>>[vector<16xi32>], vector<16xf32>,
          %add3A_138 = arith.constant 1 : i32
          %add3A_139 = vector.broadcast %add3A_138 : i32 to vector<16xi32>
          %add3A_140 = arith.addi %add3A_133, %add3A_139 : vector<16xi32>
          %gather3A_141 = tpu.vector_load_idx %arg7[%add3A_140] : memref<65536xf32, #tpu.memory_space<vmem>>[vector<16xi32>], vector<16xf32>,
          %sub3A_142 = arith.subf %gather3A_141, %gather3A_137 : vector<16xf32>
          %mul3A_143 = arith.mulf %sub3A_129, %sub3A_142 : vector<16xf32>
          %add3A_144 = arith.addf %gather3A_137, %mul3A_143 : vector<16xf32>
          %add3A_145 = arith.addf %scan3A_100, %add3A_144 : vector<16xf32>
          %add3A_146 = arith.constant 64 : i32
          %add3A_147 = vector.broadcast %add3A_146 : i32 to vector<16xi32>
          %add3A_148 = arith.addi %add3A_133, %add3A_147 : vector<16xi32>
          %gather3A_149 = tpu.vector_load_idx %arg7[%add3A_148] : memref<65536xf32, #tpu.memory_space<vmem>>[vector<16xi32>], vector<16xf32>,
          %add3A_150 = arith.constant 65 : i32
          %add3A_151 = vector.broadcast %add3A_150 : i32 to vector<16xi32>
          %add3A_152 = arith.addi %add3A_133, %add3A_151 : vector<16xi32>
          %gather3A_153 = tpu.vector_load_idx %arg7[%add3A_152] : memref<65536xf32, #tpu.memory_space<vmem>>[vector<16xi32>], vector<16xf32>,
          %sub3A_154 = arith.subf %gather3A_153, %gather3A_149 : vector<16xf32>
          %mul3A_155 = arith.mulf %sub3A_129, %sub3A_154 : vector<16xf32>
          %add3A_156 = arith.addf %gather3A_149, %mul3A_155 : vector<16xf32>
          %add3A_157 = arith.addf %scan3A_101, %add3A_156 : vector<16xf32>
          %add3A_158 = arith.constant 128 : i32
          %add3A_159 = vector.broadcast %add3A_158 : i32 to vector<16xi32>
          %add3A_160 = arith.addi %add3A_133, %add3A_159 : vector<16xi32>
          %gather3A_161 = tpu.vector_load_idx %arg7[%add3A_160] : memref<65536xf32, #tpu.memory_space<vmem>>[vector<16xi32>], vector<16xf32>,
          %add3A_162 = arith.constant 129 : i32
          %add3A_163 = vector.broadcast %add3A_162 : i32 to vector<16xi32>
          %add3A_164 = arith.addi %add3A_133, %add3A_163 : vector<16xi32>
          %gather3A_165 = tpu.vector_load_idx %arg7[%add3A_164] : memref<65536xf32, #tpu.memory_space<vmem>>[vector<16xi32>], vector<16xf32>,
          %sub3A_166 = arith.subf %gather3A_165, %gather3A_161 : vector<16xf32>
          %mul3A_167 = arith.mulf %sub3A_129, %sub3A_166 : vector<16xf32>
          %add3A_168 = arith.addf %gather3A_161, %mul3A_167 : vector<16xf32>
          %add3A_169 = arith.addf %scan3A_102, %add3A_168 : vector<16xf32>
          %add3A_170 = arith.constant 192 : i32
          %add3A_171 = vector.broadcast %add3A_170 : i32 to vector<16xi32>
          %add3A_172 = arith.addi %add3A_133, %add3A_171 : vector<16xi32>
          %gather3A_173 = tpu.vector_load_idx %arg7[%add3A_172] : memref<65536xf32, #tpu.memory_space<vmem>>[vector<16xi32>], vector<16xf32>,
          %add3A_174 = arith.constant 193 : i32
          %add3A_175 = vector.broadcast %add3A_174 : i32 to vector<16xi32>
          %add3A_176 = arith.addi %add3A_133, %add3A_175 : vector<16xi32>
          %gather3A_177 = tpu.vector_load_idx %arg7[%add3A_176] : memref<65536xf32, #tpu.memory_space<vmem>>[vector<16xi32>], vector<16xf32>,
          %sub3A_178 = arith.subf %gather3A_177, %gather3A_173 : vector<16xf32>
          %mul3A_179 = arith.mulf %sub3A_129, %sub3A_178 : vector<16xf32>
          %add3A_180 = arith.addf %gather3A_173, %mul3A_179 : vector<16xf32>
          %add3A_181 = arith.addf %scan3A_103, %add3A_180 : vector<16xf32>
          %add3A_182 = arith.constant 256 : i32
          %add3A_183 = vector.broadcast %add3A_182 : i32 to vector<16xi32>
          %add3A_184 = arith.addi %add3A_133, %add3A_183 : vector<16xi32>
          %gather3A_185 = tpu.vector_load_idx %arg7[%add3A_184] : memref<65536xf32, #tpu.memory_space<vmem>>[vector<16xi32>], vector<16xf32>,
          %add3A_186 = arith.constant 257 : i32
          %add3A_187 = vector.broadcast %add3A_186 : i32 to vector<16xi32>
          %add3A_188 = arith.addi %add3A_133, %add3A_187 : vector<16xi32>
          %gather3A_189 = tpu.vector_load_idx %arg7[%add3A_188] : memref<65536xf32, #tpu.memory_space<vmem>>[vector<16xi32>], vector<16xf32>,
          %sub3A_190 = arith.subf %gather3A_189, %gather3A_185 : vector<16xf32>
          %mul3A_191 = arith.mulf %sub3A_129, %sub3A_190 : vector<16xf32>
          %add3A_192 = arith.addf %gather3A_185, %mul3A_191 : vector<16xf32>
          %add3A_193 = arith.addf %scan3A_104, %add3A_192 : vector<16xf32>
          %add3A_194 = arith.constant 320 : i32
          %add3A_195 = vector.broadcast %add3A_194 : i32 to vector<16xi32>
          %add3A_196 = arith.addi %add3A_133, %add3A_195 : vector<16xi32>
          %gather3A_197 = tpu.vector_load_idx %arg7[%add3A_196] : memref<65536xf32, #tpu.memory_space<vmem>>[vector<16xi32>], vector<16xf32>,
          %add3A_198 = arith.constant 321 : i32
          %add3A_199 = vector.broadcast %add3A_198 : i32 to vector<16xi32>
          %add3A_200 = arith.addi %add3A_133, %add3A_199 : vector<16xi32>
          %gather3A_201 = tpu.vector_load_idx %arg7[%add3A_200] : memref<65536xf32, #tpu.memory_space<vmem>>[vector<16xi32>], vector<16xf32>,
          %sub3A_202 = arith.subf %gather3A_201, %gather3A_197 : vector<16xf32>
          %mul3A_203 = arith.mulf %sub3A_129, %sub3A_202 : vector<16xf32>
          %add3A_204 = arith.addf %gather3A_197, %mul3A_203 : vector<16xf32>
          %add3A_205 = arith.addf %scan3A_105, %add3A_204 : vector<16xf32>
          %add3A_206 = arith.constant 384 : i32
          %add3A_207 = vector.broadcast %add3A_206 : i32 to vector<16xi32>
          %add3A_208 = arith.addi %add3A_133, %add3A_207 : vector<16xi32>
          %gather3A_209 = tpu.vector_load_idx %arg7[%add3A_208] : memref<65536xf32, #tpu.memory_space<vmem>>[vector<16xi32>], vector<16xf32>,
          %add3A_210 = arith.constant 385 : i32
          %add3A_211 = vector.broadcast %add3A_210 : i32 to vector<16xi32>
          %add3A_212 = arith.addi %add3A_133, %add3A_211 : vector<16xi32>
          %gather3A_213 = tpu.vector_load_idx %arg7[%add3A_212] : memref<65536xf32, #tpu.memory_space<vmem>>[vector<16xi32>], vector<16xf32>,
          %sub3A_214 = arith.subf %gather3A_213, %gather3A_209 : vector<16xf32>
          %mul3A_215 = arith.mulf %sub3A_129, %sub3A_214 : vector<16xf32>
          %add3A_216 = arith.addf %gather3A_209, %mul3A_215 : vector<16xf32>
          %add3A_217 = arith.addf %scan3A_106, %add3A_216 : vector<16xf32>
          %add3A_218 = arith.constant 448 : i32
          %add3A_219 = vector.broadcast %add3A_218 : i32 to vector<16xi32>
          %add3A_220 = arith.addi %add3A_133, %add3A_219 : vector<16xi32>
          %gather3A_221 = tpu.vector_load_idx %arg7[%add3A_220] : memref<65536xf32, #tpu.memory_space<vmem>>[vector<16xi32>], vector<16xf32>,
          %add3A_222 = arith.constant 449 : i32
          %add3A_223 = vector.broadcast %add3A_222 : i32 to vector<16xi32>
          %add3A_224 = arith.addi %add3A_133, %add3A_223 : vector<16xi32>
          %gather3A_225 = tpu.vector_load_idx %arg7[%add3A_224] : memref<65536xf32, #tpu.memory_space<vmem>>[vector<16xi32>], vector<16xf32>,
          %sub3A_226 = arith.subf %gather3A_225, %gather3A_221 : vector<16xf32>
          %mul3A_227 = arith.mulf %sub3A_129, %sub3A_226 : vector<16xf32>
          %add3A_228 = arith.addf %gather3A_221, %mul3A_227 : vector<16xf32>
          %add3A_229 = arith.addf %scan3A_107, %add3A_228 : vector<16xf32>
          scf.yield %add3A_145, %add3A_157, %add3A_169, %add3A_181, %add3A_193, %add3A_205, %add3A_217, %add3A_229 : vector<16xf32>, vector<16xf32>, vector<16xf32>, vector<16xf32>, vector<16xf32>, vector<16xf32>, vector<16xf32>, vector<16xf32>
        }
        %scan3A_67 = arith.constant 128 : i32
        %swap3A = arith.constant 0 : i32
        %swap3A_68 = arith.index_cast %swap3A : i32 to index
        %swap3A_69 = arith.index_cast %mul3A_61 : i32 to index
        %swap3A_70 = tpu.vector_load %arg9[%swap3A_68, %swap3A_69] {strides = array<i32>} : memref<8x32xf32, #tpu.memory_space<vmem>>, vector<16xf32>,
        tpu.vector_store %arg9[%swap3A_68, %swap3A_69], %scan3A_66#0 {strides = array<i32>} : memref<8x32xf32, #tpu.memory_space<vmem>>, vector<16xf32>,
        %swap3A_71 = arith.constant 1 : i32
        %swap3A_72 = arith.index_cast %swap3A_71 : i32 to index
        %swap3A_73 = arith.index_cast %mul3A_61 : i32 to index
        %swap3A_74 = tpu.vector_load %arg9[%swap3A_72, %swap3A_73] {strides = array<i32>} : memref<8x32xf32, #tpu.memory_space<vmem>>, vector<16xf32>,
        tpu.vector_store %arg9[%swap3A_72, %swap3A_73], %scan3A_66#1 {strides = array<i32>} : memref<8x32xf32, #tpu.memory_space<vmem>>, vector<16xf32>,
        %swap3A_75 = arith.constant 2 : i32
        %swap3A_76 = arith.index_cast %swap3A_75 : i32 to index
        %swap3A_77 = arith.index_cast %mul3A_61 : i32 to index
        %swap3A_78 = tpu.vector_load %arg9[%swap3A_76, %swap3A_77] {strides = array<i32>} : memref<8x32xf32, #tpu.memory_space<vmem>>, vector<16xf32>,
        tpu.vector_store %arg9[%swap3A_76, %swap3A_77], %scan3A_66#2 {strides = array<i32>} : memref<8x32xf32, #tpu.memory_space<vmem>>, vector<16xf32>,
        %swap3A_79 = arith.constant 3 : i32
        %swap3A_80 = arith.index_cast %swap3A_79 : i32 to index
        %swap3A_81 = arith.index_cast %mul3A_61 : i32 to index
        %swap3A_82 = tpu.vector_load %arg9[%swap3A_80, %swap3A_81] {strides = array<i32>} : memref<8x32xf32, #tpu.memory_space<vmem>>, vector<16xf32>,
        tpu.vector_store %arg9[%swap3A_80, %swap3A_81], %scan3A_66#3 {strides = array<i32>} : memref<8x32xf32, #tpu.memory_space<vmem>>, vector<16xf32>,
        %swap3A_83 = arith.constant 4 : i32
        %swap3A_84 = arith.index_cast %swap3A_83 : i32 to index
        %swap3A_85 = arith.index_cast %mul3A_61 : i32 to index
        %swap3A_86 = tpu.vector_load %arg9[%swap3A_84, %swap3A_85] {strides = array<i32>} : memref<8x32xf32, #tpu.memory_space<vmem>>, vector<16xf32>,
        tpu.vector_store %arg9[%swap3A_84, %swap3A_85], %scan3A_66#4 {strides = array<i32>} : memref<8x32xf32, #tpu.memory_space<vmem>>, vector<16xf32>,
        %swap3A_87 = arith.constant 5 : i32
        %swap3A_88 = arith.index_cast %swap3A_87 : i32 to index
        %swap3A_89 = arith.index_cast %mul3A_61 : i32 to index
        %swap3A_90 = tpu.vector_load %arg9[%swap3A_88, %swap3A_89] {strides = array<i32>} : memref<8x32xf32, #tpu.memory_space<vmem>>, vector<16xf32>,
        tpu.vector_store %arg9[%swap3A_88, %swap3A_89], %scan3A_66#5 {strides = array<i32>} : memref<8x32xf32, #tpu.memory_space<vmem>>, vector<16xf32>,
        %swap3A_91 = arith.constant 6 : i32
        %swap3A_92 = arith.index_cast %swap3A_91 : i32 to index
        %swap3A_93 = arith.index_cast %mul3A_61 : i32 to index
        %swap3A_94 = tpu.vector_load %arg9[%swap3A_92, %swap3A_93] {strides = array<i32>} : memref<8x32xf32, #tpu.memory_space<vmem>>, vector<16xf32>,
        tpu.vector_store %arg9[%swap3A_92, %swap3A_93], %scan3A_66#6 {strides = array<i32>} : memref<8x32xf32, #tpu.memory_space<vmem>>, vector<16xf32>,
        %swap3A_95 = arith.constant 7 : i32
        %swap3A_96 = arith.index_cast %swap3A_95 : i32 to index
        %swap3A_97 = arith.index_cast %mul3A_61 : i32 to index
        %swap3A_98 = tpu.vector_load %arg9[%swap3A_96, %swap3A_97] {strides = array<i32>} : memref<8x32xf32, #tpu.memory_space<vmem>>, vector<16xf32>,
        tpu.vector_store %arg9[%swap3A_96, %swap3A_97], %scan3A_66#7 {strides = array<i32>} : memref<8x32xf32, #tpu.memory_space<vmem>>, vector<16xf32>,
      }
      %scan3A_58 = arith.constant 2 : i32
      "tpu.region"() ({
        %run_scoped3A = tpu.sem_alloc : memref<!tpu.dma_semaphore, #tpu.memory_space<semaphore_mem>>
        %dma_start3A = arith.constant 0 : i32
        %dma_start3A_59 = arith.constant 0 : i32
        %dma_start3A_60 = tpu.memref_slice %arg6[%add3A_52, %rem3A_1, %dma_start3A, %dma_start3A_59] : memref<16x8x8x32xf32, #tpu.memory_space<hbm>> -> memref<1x1x8x32xf32, #tpu.memory_space<hbm>>
        %dma_start3A_61 = tpu.memref_squeeze %dma_start3A_60 : memref<1x1x8x32xf32, #tpu.memory_space<hbm>> -> memref<8x32xf32, #tpu.memory_space<hbm>>
        %dma_start3A_62 = arith.constant 0 : i32
        %dma_start3A_63 = arith.constant 0 : i32
        %dma_start3A_64 = tpu.memref_slice %arg6[%add3A_52, %rem3A_1, %dma_start3A_62, %dma_start3A_63] : memref<16x8x8x32xf32, #tpu.memory_space<hbm>> -> memref<1x1x8x32xf32, #tpu.memory_space<hbm>>
        %dma_start3A_65 = tpu.memref_squeeze %dma_start3A_64 : memref<1x1x8x32xf32, #tpu.memory_space<hbm>> -> memref<8x32xf32, #tpu.memory_space<hbm>>
        tpu.enqueue_dma source(%arg9 : memref<8x32xf32, #tpu.memory_space<vmem>>) target(%dma_start3A_65 : memref<8x32xf32, #tpu.memory_space<hbm>>) target_semaphore(%run_scoped3A : memref<!tpu.dma_semaphore, #tpu.memory_space<semaphore_mem>>)
        %dma_wait3A = arith.constant 0 : i32
        %dma_wait3A_66 = arith.constant 0 : i32
        %dma_wait3A_67 = tpu.memref_slice %arg6[%add3A_52, %rem3A_1, %dma_wait3A, %dma_wait3A_66] : memref<16x8x8x32xf32, #tpu.memory_space<hbm>> -> memref<1x1x8x32xf32, #tpu.memory_space<hbm>>
        %dma_wait3A_68 = tpu.memref_squeeze %dma_wait3A_67 : memref<1x1x8x32xf32, #tpu.memory_space<hbm>> -> memref<8x32xf32, #tpu.memory_space<hbm>>
        %dma_wait3A_69 = arith.constant 0 : i32
        %dma_wait3A_70 = arith.constant 0 : i32
        %dma_wait3A_71 = tpu.memref_slice %arg6[%add3A_52, %rem3A_1, %dma_wait3A_69, %dma_wait3A_70] : memref<16x8x8x32xf32, #tpu.memory_space<hbm>> -> memref<1x1x8x32xf32, #tpu.memory_space<hbm>>
        %dma_wait3A_72 = tpu.memref_squeeze %dma_wait3A_71 : memref<1x1x8x32xf32, #tpu.memory_space<hbm>> -> memref<8x32xf32, #tpu.memory_space<hbm>>
        tpu.wait_dma2 semaphore(%run_scoped3A : memref<!tpu.dma_semaphore, #tpu.memory_space<semaphore_mem>>) src(%arg9 : memref<8x32xf32, #tpu.memory_space<vmem>>) dst(%dma_wait3A_72 : memref<8x32xf32, #tpu.memory_space<hbm>>)
        tpu.yield
      }) : () -> ()
    }
    %scan3A_48 = arith.constant 4 : i32
    return
  }
}

module attributes {stable_mosaic.version = 14 : i64} {
  func.func @_lambda_(%arg0: i32, %arg1: memref<512x128xf32, #tpu.memory_space<vmem>>, %arg2: memref<1x64xf32, #tpu.memory_space<vmem>>, %arg3: memref<1x1024xf32, #tpu.memory_space<vmem>>, %arg4: memref<8192x64xbf16, #tpu.memory_space<vmem>>, %arg5: memref<256x64xf32, #tpu.memory_space<vmem>>, %arg6: memref<1x64xf32, #tpu.memory_space<vmem>>, %arg7: memref<512x64xf32, #tpu.memory_space<vmem>>) attributes {dimension_semantics = [#tpu.dimension_semantics<arbitrary>], iteration_bounds = array<i64: 7>, scalar_prefetch = 0 : i64, scratch_operands = 0 : i64, tpu.core_type = #tpu.core_type<tc>, window_params = [{transform_indices = @transform_0, window_bounds = array<i64: 512, 128>}, {pipeline_mode = #tpu.pipeline_mode<synchronous>, transform_indices = @transform_1, window_bounds = array<i64: 1, 64>}, {pipeline_mode = #tpu.pipeline_mode<synchronous>, transform_indices = @transform_2, window_bounds = array<i64: 1, 1024>}, {pipeline_mode = #tpu.pipeline_mode<synchronous>, transform_indices = @transform_3, window_bounds = array<i64: 8192, 64>}, {pipeline_mode = #tpu.pipeline_mode<synchronous>, transform_indices = @transform_4, window_bounds = array<i64: 256, 64>}, {pipeline_mode = #tpu.pipeline_mode<synchronous>, transform_indices = @transform_5, window_bounds = array<i64: 1, 64>}, {transform_indices = @transform_6, window_bounds = array<i64: 512, 64>}]} {
    %get3A = arith.constant 0 : index
    %get3A_0 = arith.constant 0 : index
    %get3A_1 = vector.load %arg1[%get3A, %get3A_0] : memref<512x128xf32, #tpu.memory_space<vmem>>, vector<512x128xf32>
    %get3A_2 = arith.constant 0 : index
    %get3A_3 = arith.constant 0 : index
    %get3A_4 = vector.load %arg2[%get3A_2, %get3A_3] : memref<1x64xf32, #tpu.memory_space<vmem>>, vector<1x1xf32>
    %get3A_5 = vector.extract %get3A_4[0, 0] : f32 from vector<1x1xf32>
    %get3A_6 = arith.constant 0 : index
    %get3A_7 = arith.constant 63 : index
    %get3A_8 = vector.load %arg2[%get3A_6, %get3A_7] : memref<1x64xf32, #tpu.memory_space<vmem>>, vector<1x1xf32>
    %get3A_9 = vector.extract %get3A_8[0, 0] : f32 from vector<1x1xf32>
    %sub3A = arith.subf %get3A_9, %get3A_5 : f32
    %div3A = arith.constant 6.300000e+01 : f32
    %div3A_10 = arith.divf %div3A, %sub3A : f32
    %sub3A_11 = vector.broadcast %get3A_5 : f32 to vector<512x128xf32>
    %sub3A_12 = arith.subf %get3A_1, %sub3A_11 : vector<512x128xf32>
    %mul3A = vector.broadcast %div3A_10 : f32 to vector<512x128xf32>
    %mul3A_13 = arith.mulf %sub3A_12, %mul3A : vector<512x128xf32>
    %jit3A = arith.constant 0.000000e+00 : f32
    %jit3A_14 = arith.constant 6.300000e+01 : f32
    %max3A = vector.broadcast %jit3A : f32 to vector<512x128xf32>
    %max3A_15 = arith.maximumf %max3A, %mul3A_13 : vector<512x128xf32>
    %min3A = vector.broadcast %jit3A_14 : f32 to vector<512x128xf32>
    %min3A_16 = arith.minimumf %min3A, %max3A_15 : vector<512x128xf32>
    %sub3A_17 = arith.subf %mul3A_13, %min3A_16 : vector<512x128xf32>
    %min3A_18 = arith.constant 0.000000e+00 : f32
    %min3A_19 = vector.broadcast %min3A_18 : f32 to vector<512x128xf32>
    %min3A_20 = arith.minimumf %sub3A_17, %min3A_19 : vector<512x128xf32>
    %sub3A_21 = arith.subf %sub3A_17, %min3A_20 : vector<512x128xf32>
    %get3A_22 = arith.constant 0 : index
    %get3A_23 = arith.constant 0 : index
    %get3A_24 = vector.load %arg3[%get3A_22, %get3A_23] : memref<1x1024xf32, #tpu.memory_space<vmem>>, vector<1x1024xf32>
    %slice3A = vector.extract_strided_slice %min3A_16 {offsets = [0, 0], sizes = [512, 16], strides = [1, 1]} : vector<512x128xf32> to vector<512x16xf32>
    %tile3A = tpu.concatenate %slice3A, %slice3A, %slice3A, %slice3A, %slice3A, %slice3A, %slice3A, %slice3A, %slice3A, %slice3A, %slice3A, %slice3A, %slice3A, %slice3A, %slice3A, %slice3A, %slice3A, %slice3A, %slice3A, %slice3A, %slice3A, %slice3A, %slice3A, %slice3A, %slice3A, %slice3A, %slice3A, %slice3A, %slice3A, %slice3A, %slice3A, %slice3A, %slice3A, %slice3A, %slice3A, %slice3A, %slice3A, %slice3A, %slice3A, %slice3A, %slice3A, %slice3A, %slice3A, %slice3A, %slice3A, %slice3A, %slice3A, %slice3A, %slice3A, %slice3A, %slice3A, %slice3A, %slice3A, %slice3A, %slice3A, %slice3A, %slice3A, %slice3A, %slice3A, %slice3A, %slice3A, %slice3A, %slice3A, %slice3A in 1 : vector<512x16xf32>, vector<512x16xf32>, vector<512x16xf32>, vector<512x16xf32>, vector<512x16xf32>, vector<512x16xf32>, vector<512x16xf32>, vector<512x16xf32>, vector<512x16xf32>, vector<512x16xf32>, vector<512x16xf32>, vector<512x16xf32>, vector<512x16xf32>, vector<512x16xf32>, vector<512x16xf32>, vector<512x16xf32>, vector<512x16xf32>, vector<512x16xf32>, vector<512x16xf32>, vector<512x16xf32>, vector<512x16xf32>, vector<512x16xf32>, vector<512x16xf32>, vector<512x16xf32>, vector<512x16xf32>, vector<512x16xf32>, vector<512x16xf32>, vector<512x16xf32>, vector<512x16xf32>, vector<512x16xf32>, vector<512x16xf32>, vector<512x16xf32>, vector<512x16xf32>, vector<512x16xf32>, vector<512x16xf32>, vector<512x16xf32>, vector<512x16xf32>, vector<512x16xf32>, vector<512x16xf32>, vector<512x16xf32>, vector<512x16xf32>, vector<512x16xf32>, vector<512x16xf32>, vector<512x16xf32>, vector<512x16xf32>, vector<512x16xf32>, vector<512x16xf32>, vector<512x16xf32>, vector<512x16xf32>, vector<512x16xf32>, vector<512x16xf32>, vector<512x16xf32>, vector<512x16xf32>, vector<512x16xf32>, vector<512x16xf32>, vector<512x16xf32>, vector<512x16xf32>, vector<512x16xf32>, vector<512x16xf32>, vector<512x16xf32>, vector<512x16xf32>, vector<512x16xf32>, vector<512x16xf32>, vector<512x16xf32> -> vector<512x1024xf32>
    %sub3A_25 = vector.broadcast %get3A_24 : vector<1x1024xf32> to vector<512x1024xf32>
    %sub3A_26 = arith.subf %tile3A, %sub3A_25 : vector<512x1024xf32>
    %convert_element_type3A = arith.truncf %sub3A_26 : vector<512x1024xf32> to vector<512x1024xbf16>
    %abs3A = math.absf %convert_element_type3A : vector<512x1024xbf16>
    %sub3A_27 = arith.constant 1.000000e+00 : bf16
    %sub3A_28 = vector.broadcast %sub3A_27 : bf16 to vector<512x1024xbf16>
    %sub3A_29 = arith.subf %sub3A_28, %abs3A : vector<512x1024xbf16>
    %max3A_30 = arith.constant 0.000000e+00 : bf16
    %max3A_31 = vector.broadcast %max3A_30 : bf16 to vector<512x1024xbf16>
    %max3A_32 = arith.maximumf %sub3A_29, %max3A_31 : vector<512x1024xbf16>
    %get3A_33 = arith.constant 0 : index
    %get3A_34 = arith.constant 0 : index
    %get3A_35 = vector.load %arg4[%get3A_33, %get3A_34] : memref<8192x64xbf16, #tpu.memory_space<vmem>>, vector<1024x64xbf16>
    %dot_general3A = arith.constant dense<0.000000e+00> : vector<512x64xf32>
    %dot_general3A_36 = tpu.matmul %max3A_32, %get3A_35, %dot_general3A {dimension_numbers = #tpu.dot_dimension_numbers<[1], [0], [0], [1], [0, 0, 1, 1], [], []>, transpose_lhs_hint = false} : vector<512x1024xbf16>, vector<1024x64xbf16>, vector<512x64xf32> -> vector<512x64xf32>
    %slice3A_37 = vector.extract_strided_slice %min3A_16 {offsets = [0, 16], sizes = [512, 16], strides = [1, 1]} : vector<512x128xf32> to vector<512x16xf32>
    %tile3A_38 = tpu.concatenate %slice3A_37, %slice3A_37, %slice3A_37, %slice3A_37, %slice3A_37, %slice3A_37, %slice3A_37, %slice3A_37, %slice3A_37, %slice3A_37, %slice3A_37, %slice3A_37, %slice3A_37, %slice3A_37, %slice3A_37, %slice3A_37, %slice3A_37, %slice3A_37, %slice3A_37, %slice3A_37, %slice3A_37, %slice3A_37, %slice3A_37, %slice3A_37, %slice3A_37, %slice3A_37, %slice3A_37, %slice3A_37, %slice3A_37, %slice3A_37, %slice3A_37, %slice3A_37, %slice3A_37, %slice3A_37, %slice3A_37, %slice3A_37, %slice3A_37, %slice3A_37, %slice3A_37, %slice3A_37, %slice3A_37, %slice3A_37, %slice3A_37, %slice3A_37, %slice3A_37, %slice3A_37, %slice3A_37, %slice3A_37, %slice3A_37, %slice3A_37, %slice3A_37, %slice3A_37, %slice3A_37, %slice3A_37, %slice3A_37, %slice3A_37, %slice3A_37, %slice3A_37, %slice3A_37, %slice3A_37, %slice3A_37, %slice3A_37, %slice3A_37, %slice3A_37 in 1 : vector<512x16xf32>, vector<512x16xf32>, vector<512x16xf32>, vector<512x16xf32>, vector<512x16xf32>, vector<512x16xf32>, vector<512x16xf32>, vector<512x16xf32>, vector<512x16xf32>, vector<512x16xf32>, vector<512x16xf32>, vector<512x16xf32>, vector<512x16xf32>, vector<512x16xf32>, vector<512x16xf32>, vector<512x16xf32>, vector<512x16xf32>, vector<512x16xf32>, vector<512x16xf32>, vector<512x16xf32>, vector<512x16xf32>, vector<512x16xf32>, vector<512x16xf32>, vector<512x16xf32>, vector<512x16xf32>, vector<512x16xf32>, vector<512x16xf32>, vector<512x16xf32>, vector<512x16xf32>, vector<512x16xf32>, vector<512x16xf32>, vector<512x16xf32>, vector<512x16xf32>, vector<512x16xf32>, vector<512x16xf32>, vector<512x16xf32>, vector<512x16xf32>, vector<512x16xf32>, vector<512x16xf32>, vector<512x16xf32>, vector<512x16xf32>, vector<512x16xf32>, vector<512x16xf32>, vector<512x16xf32>, vector<512x16xf32>, vector<512x16xf32>, vector<512x16xf32>, vector<512x16xf32>, vector<512x16xf32>, vector<512x16xf32>, vector<512x16xf32>, vector<512x16xf32>, vector<512x16xf32>, vector<512x16xf32>, vector<512x16xf32>, vector<512x16xf32>, vector<512x16xf32>, vector<512x16xf32>, vector<512x16xf32>, vector<512x16xf32>, vector<512x16xf32>, vector<512x16xf32>, vector<512x16xf32>, vector<512x16xf32> -> vector<512x1024xf32>
    %sub3A_39 = vector.broadcast %get3A_24 : vector<1x1024xf32> to vector<512x1024xf32>
    %sub3A_40 = arith.subf %tile3A_38, %sub3A_39 : vector<512x1024xf32>
    %convert_element_type3A_41 = arith.truncf %sub3A_40 : vector<512x1024xf32> to vector<512x1024xbf16>
    %abs3A_42 = math.absf %convert_element_type3A_41 : vector<512x1024xbf16>
    %sub3A_43 = arith.constant 1.000000e+00 : bf16
    %sub3A_44 = vector.broadcast %sub3A_43 : bf16 to vector<512x1024xbf16>
    %sub3A_45 = arith.subf %sub3A_44, %abs3A_42 : vector<512x1024xbf16>
    %max3A_46 = arith.constant 0.000000e+00 : bf16
    %max3A_47 = vector.broadcast %max3A_46 : bf16 to vector<512x1024xbf16>
    %max3A_48 = arith.maximumf %sub3A_45, %max3A_47 : vector<512x1024xbf16>
    %get3A_49 = arith.constant 1024 : index
    %get3A_50 = arith.constant 0 : index
    %get3A_51 = vector.load %arg4[%get3A_49, %get3A_50] : memref<8192x64xbf16, #tpu.memory_space<vmem>>, vector<1024x64xbf16>
    %dot_general3A_52 = arith.constant dense<0.000000e+00> : vector<512x64xf32>
    %dot_general3A_53 = tpu.matmul %max3A_48, %get3A_51, %dot_general3A_52 {dimension_numbers = #tpu.dot_dimension_numbers<[1], [0], [0], [1], [0, 0, 1, 1], [], []>, transpose_lhs_hint = false} : vector<512x1024xbf16>, vector<1024x64xbf16>, vector<512x64xf32> -> vector<512x64xf32>
    %add3A = arith.addf %dot_general3A_36, %dot_general3A_53 : vector<512x64xf32>
    %slice3A_54 = vector.extract_strided_slice %min3A_16 {offsets = [0, 32], sizes = [512, 16], strides = [1, 1]} : vector<512x128xf32> to vector<512x16xf32>
    %tile3A_55 = tpu.concatenate %slice3A_54, %slice3A_54, %slice3A_54, %slice3A_54, %slice3A_54, %slice3A_54, %slice3A_54, %slice3A_54, %slice3A_54, %slice3A_54, %slice3A_54, %slice3A_54, %slice3A_54, %slice3A_54, %slice3A_54, %slice3A_54, %slice3A_54, %slice3A_54, %slice3A_54, %slice3A_54, %slice3A_54, %slice3A_54, %slice3A_54, %slice3A_54, %slice3A_54, %slice3A_54, %slice3A_54, %slice3A_54, %slice3A_54, %slice3A_54, %slice3A_54, %slice3A_54, %slice3A_54, %slice3A_54, %slice3A_54, %slice3A_54, %slice3A_54, %slice3A_54, %slice3A_54, %slice3A_54, %slice3A_54, %slice3A_54, %slice3A_54, %slice3A_54, %slice3A_54, %slice3A_54, %slice3A_54, %slice3A_54, %slice3A_54, %slice3A_54, %slice3A_54, %slice3A_54, %slice3A_54, %slice3A_54, %slice3A_54, %slice3A_54, %slice3A_54, %slice3A_54, %slice3A_54, %slice3A_54, %slice3A_54, %slice3A_54, %slice3A_54, %slice3A_54 in 1 : vector<512x16xf32>, vector<512x16xf32>, vector<512x16xf32>, vector<512x16xf32>, vector<512x16xf32>, vector<512x16xf32>, vector<512x16xf32>, vector<512x16xf32>, vector<512x16xf32>, vector<512x16xf32>, vector<512x16xf32>, vector<512x16xf32>, vector<512x16xf32>, vector<512x16xf32>, vector<512x16xf32>, vector<512x16xf32>, vector<512x16xf32>, vector<512x16xf32>, vector<512x16xf32>, vector<512x16xf32>, vector<512x16xf32>, vector<512x16xf32>, vector<512x16xf32>, vector<512x16xf32>, vector<512x16xf32>, vector<512x16xf32>, vector<512x16xf32>, vector<512x16xf32>, vector<512x16xf32>, vector<512x16xf32>, vector<512x16xf32>, vector<512x16xf32>, vector<512x16xf32>, vector<512x16xf32>, vector<512x16xf32>, vector<512x16xf32>, vector<512x16xf32>, vector<512x16xf32>, vector<512x16xf32>, vector<512x16xf32>, vector<512x16xf32>, vector<512x16xf32>, vector<512x16xf32>, vector<512x16xf32>, vector<512x16xf32>, vector<512x16xf32>, vector<512x16xf32>, vector<512x16xf32>, vector<512x16xf32>, vector<512x16xf32>, vector<512x16xf32>, vector<512x16xf32>, vector<512x16xf32>, vector<512x16xf32>, vector<512x16xf32>, vector<512x16xf32>, vector<512x16xf32>, vector<512x16xf32>, vector<512x16xf32>, vector<512x16xf32>, vector<512x16xf32>, vector<512x16xf32>, vector<512x16xf32>, vector<512x16xf32> -> vector<512x1024xf32>
    %sub3A_56 = vector.broadcast %get3A_24 : vector<1x1024xf32> to vector<512x1024xf32>
    %sub3A_57 = arith.subf %tile3A_55, %sub3A_56 : vector<512x1024xf32>
    %convert_element_type3A_58 = arith.truncf %sub3A_57 : vector<512x1024xf32> to vector<512x1024xbf16>
    %abs3A_59 = math.absf %convert_element_type3A_58 : vector<512x1024xbf16>
    %sub3A_60 = arith.constant 1.000000e+00 : bf16
    %sub3A_61 = vector.broadcast %sub3A_60 : bf16 to vector<512x1024xbf16>
    %sub3A_62 = arith.subf %sub3A_61, %abs3A_59 : vector<512x1024xbf16>
    %max3A_63 = arith.constant 0.000000e+00 : bf16
    %max3A_64 = vector.broadcast %max3A_63 : bf16 to vector<512x1024xbf16>
    %max3A_65 = arith.maximumf %sub3A_62, %max3A_64 : vector<512x1024xbf16>
    %get3A_66 = arith.constant 2048 : index
    %get3A_67 = arith.constant 0 : index
    %get3A_68 = vector.load %arg4[%get3A_66, %get3A_67] : memref<8192x64xbf16, #tpu.memory_space<vmem>>, vector<1024x64xbf16>
    %dot_general3A_69 = arith.constant dense<0.000000e+00> : vector<512x64xf32>
    %dot_general3A_70 = tpu.matmul %max3A_65, %get3A_68, %dot_general3A_69 {dimension_numbers = #tpu.dot_dimension_numbers<[1], [0], [0], [1], [0, 0, 1, 1], [], []>, transpose_lhs_hint = false} : vector<512x1024xbf16>, vector<1024x64xbf16>, vector<512x64xf32> -> vector<512x64xf32>
    %add3A_71 = arith.addf %add3A, %dot_general3A_70 : vector<512x64xf32>
    %slice3A_72 = vector.extract_strided_slice %min3A_16 {offsets = [0, 48], sizes = [512, 16], strides = [1, 1]} : vector<512x128xf32> to vector<512x16xf32>
    %tile3A_73 = tpu.concatenate %slice3A_72, %slice3A_72, %slice3A_72, %slice3A_72, %slice3A_72, %slice3A_72, %slice3A_72, %slice3A_72, %slice3A_72, %slice3A_72, %slice3A_72, %slice3A_72, %slice3A_72, %slice3A_72, %slice3A_72, %slice3A_72, %slice3A_72, %slice3A_72, %slice3A_72, %slice3A_72, %slice3A_72, %slice3A_72, %slice3A_72, %slice3A_72, %slice3A_72, %slice3A_72, %slice3A_72, %slice3A_72, %slice3A_72, %slice3A_72, %slice3A_72, %slice3A_72, %slice3A_72, %slice3A_72, %slice3A_72, %slice3A_72, %slice3A_72, %slice3A_72, %slice3A_72, %slice3A_72, %slice3A_72, %slice3A_72, %slice3A_72, %slice3A_72, %slice3A_72, %slice3A_72, %slice3A_72, %slice3A_72, %slice3A_72, %slice3A_72, %slice3A_72, %slice3A_72, %slice3A_72, %slice3A_72, %slice3A_72, %slice3A_72, %slice3A_72, %slice3A_72, %slice3A_72, %slice3A_72, %slice3A_72, %slice3A_72, %slice3A_72, %slice3A_72 in 1 : vector<512x16xf32>, vector<512x16xf32>, vector<512x16xf32>, vector<512x16xf32>, vector<512x16xf32>, vector<512x16xf32>, vector<512x16xf32>, vector<512x16xf32>, vector<512x16xf32>, vector<512x16xf32>, vector<512x16xf32>, vector<512x16xf32>, vector<512x16xf32>, vector<512x16xf32>, vector<512x16xf32>, vector<512x16xf32>, vector<512x16xf32>, vector<512x16xf32>, vector<512x16xf32>, vector<512x16xf32>, vector<512x16xf32>, vector<512x16xf32>, vector<512x16xf32>, vector<512x16xf32>, vector<512x16xf32>, vector<512x16xf32>, vector<512x16xf32>, vector<512x16xf32>, vector<512x16xf32>, vector<512x16xf32>, vector<512x16xf32>, vector<512x16xf32>, vector<512x16xf32>, vector<512x16xf32>, vector<512x16xf32>, vector<512x16xf32>, vector<512x16xf32>, vector<512x16xf32>, vector<512x16xf32>, vector<512x16xf32>, vector<512x16xf32>, vector<512x16xf32>, vector<512x16xf32>, vector<512x16xf32>, vector<512x16xf32>, vector<512x16xf32>, vector<512x16xf32>, vector<512x16xf32>, vector<512x16xf32>, vector<512x16xf32>, vector<512x16xf32>, vector<512x16xf32>, vector<512x16xf32>, vector<512x16xf32>, vector<512x16xf32>, vector<512x16xf32>, vector<512x16xf32>, vector<512x16xf32>, vector<512x16xf32>, vector<512x16xf32>, vector<512x16xf32>, vector<512x16xf32>, vector<512x16xf32>, vector<512x16xf32> -> vector<512x1024xf32>
    %sub3A_74 = vector.broadcast %get3A_24 : vector<1x1024xf32> to vector<512x1024xf32>
    %sub3A_75 = arith.subf %tile3A_73, %sub3A_74 : vector<512x1024xf32>
    %convert_element_type3A_76 = arith.truncf %sub3A_75 : vector<512x1024xf32> to vector<512x1024xbf16>
    %abs3A_77 = math.absf %convert_element_type3A_76 : vector<512x1024xbf16>
    %sub3A_78 = arith.constant 1.000000e+00 : bf16
    %sub3A_79 = vector.broadcast %sub3A_78 : bf16 to vector<512x1024xbf16>
    %sub3A_80 = arith.subf %sub3A_79, %abs3A_77 : vector<512x1024xbf16>
    %max3A_81 = arith.constant 0.000000e+00 : bf16
    %max3A_82 = vector.broadcast %max3A_81 : bf16 to vector<512x1024xbf16>
    %max3A_83 = arith.maximumf %sub3A_80, %max3A_82 : vector<512x1024xbf16>
    %get3A_84 = arith.constant 3072 : index
    %get3A_85 = arith.constant 0 : index
    %get3A_86 = vector.load %arg4[%get3A_84, %get3A_85] : memref<8192x64xbf16, #tpu.memory_space<vmem>>, vector<1024x64xbf16>
    %dot_general3A_87 = arith.constant dense<0.000000e+00> : vector<512x64xf32>
    %dot_general3A_88 = tpu.matmul %max3A_83, %get3A_86, %dot_general3A_87 {dimension_numbers = #tpu.dot_dimension_numbers<[1], [0], [0], [1], [0, 0, 1, 1], [], []>, transpose_lhs_hint = false} : vector<512x1024xbf16>, vector<1024x64xbf16>, vector<512x64xf32> -> vector<512x64xf32>
    %add3A_89 = arith.addf %add3A_71, %dot_general3A_88 : vector<512x64xf32>
    %slice3A_90 = vector.extract_strided_slice %min3A_16 {offsets = [0, 64], sizes = [512, 16], strides = [1, 1]} : vector<512x128xf32> to vector<512x16xf32>
    %tile3A_91 = tpu.concatenate %slice3A_90, %slice3A_90, %slice3A_90, %slice3A_90, %slice3A_90, %slice3A_90, %slice3A_90, %slice3A_90, %slice3A_90, %slice3A_90, %slice3A_90, %slice3A_90, %slice3A_90, %slice3A_90, %slice3A_90, %slice3A_90, %slice3A_90, %slice3A_90, %slice3A_90, %slice3A_90, %slice3A_90, %slice3A_90, %slice3A_90, %slice3A_90, %slice3A_90, %slice3A_90, %slice3A_90, %slice3A_90, %slice3A_90, %slice3A_90, %slice3A_90, %slice3A_90, %slice3A_90, %slice3A_90, %slice3A_90, %slice3A_90, %slice3A_90, %slice3A_90, %slice3A_90, %slice3A_90, %slice3A_90, %slice3A_90, %slice3A_90, %slice3A_90, %slice3A_90, %slice3A_90, %slice3A_90, %slice3A_90, %slice3A_90, %slice3A_90, %slice3A_90, %slice3A_90, %slice3A_90, %slice3A_90, %slice3A_90, %slice3A_90, %slice3A_90, %slice3A_90, %slice3A_90, %slice3A_90, %slice3A_90, %slice3A_90, %slice3A_90, %slice3A_90 in 1 : vector<512x16xf32>, vector<512x16xf32>, vector<512x16xf32>, vector<512x16xf32>, vector<512x16xf32>, vector<512x16xf32>, vector<512x16xf32>, vector<512x16xf32>, vector<512x16xf32>, vector<512x16xf32>, vector<512x16xf32>, vector<512x16xf32>, vector<512x16xf32>, vector<512x16xf32>, vector<512x16xf32>, vector<512x16xf32>, vector<512x16xf32>, vector<512x16xf32>, vector<512x16xf32>, vector<512x16xf32>, vector<512x16xf32>, vector<512x16xf32>, vector<512x16xf32>, vector<512x16xf32>, vector<512x16xf32>, vector<512x16xf32>, vector<512x16xf32>, vector<512x16xf32>, vector<512x16xf32>, vector<512x16xf32>, vector<512x16xf32>, vector<512x16xf32>, vector<512x16xf32>, vector<512x16xf32>, vector<512x16xf32>, vector<512x16xf32>, vector<512x16xf32>, vector<512x16xf32>, vector<512x16xf32>, vector<512x16xf32>, vector<512x16xf32>, vector<512x16xf32>, vector<512x16xf32>, vector<512x16xf32>, vector<512x16xf32>, vector<512x16xf32>, vector<512x16xf32>, vector<512x16xf32>, vector<512x16xf32>, vector<512x16xf32>, vector<512x16xf32>, vector<512x16xf32>, vector<512x16xf32>, vector<512x16xf32>, vector<512x16xf32>, vector<512x16xf32>, vector<512x16xf32>, vector<512x16xf32>, vector<512x16xf32>, vector<512x16xf32>, vector<512x16xf32>, vector<512x16xf32>, vector<512x16xf32>, vector<512x16xf32> -> vector<512x1024xf32>
    %sub3A_92 = vector.broadcast %get3A_24 : vector<1x1024xf32> to vector<512x1024xf32>
    %sub3A_93 = arith.subf %tile3A_91, %sub3A_92 : vector<512x1024xf32>
    %convert_element_type3A_94 = arith.truncf %sub3A_93 : vector<512x1024xf32> to vector<512x1024xbf16>
    %abs3A_95 = math.absf %convert_element_type3A_94 : vector<512x1024xbf16>
    %sub3A_96 = arith.constant 1.000000e+00 : bf16
    %sub3A_97 = vector.broadcast %sub3A_96 : bf16 to vector<512x1024xbf16>
    %sub3A_98 = arith.subf %sub3A_97, %abs3A_95 : vector<512x1024xbf16>
    %max3A_99 = arith.constant 0.000000e+00 : bf16
    %max3A_100 = vector.broadcast %max3A_99 : bf16 to vector<512x1024xbf16>
    %max3A_101 = arith.maximumf %sub3A_98, %max3A_100 : vector<512x1024xbf16>
    %get3A_102 = arith.constant 4096 : index
    %get3A_103 = arith.constant 0 : index
    %get3A_104 = vector.load %arg4[%get3A_102, %get3A_103] : memref<8192x64xbf16, #tpu.memory_space<vmem>>, vector<1024x64xbf16>
    %dot_general3A_105 = arith.constant dense<0.000000e+00> : vector<512x64xf32>
    %dot_general3A_106 = tpu.matmul %max3A_101, %get3A_104, %dot_general3A_105 {dimension_numbers = #tpu.dot_dimension_numbers<[1], [0], [0], [1], [0, 0, 1, 1], [], []>, transpose_lhs_hint = false} : vector<512x1024xbf16>, vector<1024x64xbf16>, vector<512x64xf32> -> vector<512x64xf32>
    %add3A_107 = arith.addf %add3A_89, %dot_general3A_106 : vector<512x64xf32>
    %slice3A_108 = vector.extract_strided_slice %min3A_16 {offsets = [0, 80], sizes = [512, 16], strides = [1, 1]} : vector<512x128xf32> to vector<512x16xf32>
    %tile3A_109 = tpu.concatenate %slice3A_108, %slice3A_108, %slice3A_108, %slice3A_108, %slice3A_108, %slice3A_108, %slice3A_108, %slice3A_108, %slice3A_108, %slice3A_108, %slice3A_108, %slice3A_108, %slice3A_108, %slice3A_108, %slice3A_108, %slice3A_108, %slice3A_108, %slice3A_108, %slice3A_108, %slice3A_108, %slice3A_108, %slice3A_108, %slice3A_108, %slice3A_108, %slice3A_108, %slice3A_108, %slice3A_108, %slice3A_108, %slice3A_108, %slice3A_108, %slice3A_108, %slice3A_108, %slice3A_108, %slice3A_108, %slice3A_108, %slice3A_108, %slice3A_108, %slice3A_108, %slice3A_108, %slice3A_108, %slice3A_108, %slice3A_108, %slice3A_108, %slice3A_108, %slice3A_108, %slice3A_108, %slice3A_108, %slice3A_108, %slice3A_108, %slice3A_108, %slice3A_108, %slice3A_108, %slice3A_108, %slice3A_108, %slice3A_108, %slice3A_108, %slice3A_108, %slice3A_108, %slice3A_108, %slice3A_108, %slice3A_108, %slice3A_108, %slice3A_108, %slice3A_108 in 1 : vector<512x16xf32>, vector<512x16xf32>, vector<512x16xf32>, vector<512x16xf32>, vector<512x16xf32>, vector<512x16xf32>, vector<512x16xf32>, vector<512x16xf32>, vector<512x16xf32>, vector<512x16xf32>, vector<512x16xf32>, vector<512x16xf32>, vector<512x16xf32>, vector<512x16xf32>, vector<512x16xf32>, vector<512x16xf32>, vector<512x16xf32>, vector<512x16xf32>, vector<512x16xf32>, vector<512x16xf32>, vector<512x16xf32>, vector<512x16xf32>, vector<512x16xf32>, vector<512x16xf32>, vector<512x16xf32>, vector<512x16xf32>, vector<512x16xf32>, vector<512x16xf32>, vector<512x16xf32>, vector<512x16xf32>, vector<512x16xf32>, vector<512x16xf32>, vector<512x16xf32>, vector<512x16xf32>, vector<512x16xf32>, vector<512x16xf32>, vector<512x16xf32>, vector<512x16xf32>, vector<512x16xf32>, vector<512x16xf32>, vector<512x16xf32>, vector<512x16xf32>, vector<512x16xf32>, vector<512x16xf32>, vector<512x16xf32>, vector<512x16xf32>, vector<512x16xf32>, vector<512x16xf32>, vector<512x16xf32>, vector<512x16xf32>, vector<512x16xf32>, vector<512x16xf32>, vector<512x16xf32>, vector<512x16xf32>, vector<512x16xf32>, vector<512x16xf32>, vector<512x16xf32>, vector<512x16xf32>, vector<512x16xf32>, vector<512x16xf32>, vector<512x16xf32>, vector<512x16xf32>, vector<512x16xf32>, vector<512x16xf32> -> vector<512x1024xf32>
    %sub3A_110 = vector.broadcast %get3A_24 : vector<1x1024xf32> to vector<512x1024xf32>
    %sub3A_111 = arith.subf %tile3A_109, %sub3A_110 : vector<512x1024xf32>
    %convert_element_type3A_112 = arith.truncf %sub3A_111 : vector<512x1024xf32> to vector<512x1024xbf16>
    %abs3A_113 = math.absf %convert_element_type3A_112 : vector<512x1024xbf16>
    %sub3A_114 = arith.constant 1.000000e+00 : bf16
    %sub3A_115 = vector.broadcast %sub3A_114 : bf16 to vector<512x1024xbf16>
    %sub3A_116 = arith.subf %sub3A_115, %abs3A_113 : vector<512x1024xbf16>
    %max3A_117 = arith.constant 0.000000e+00 : bf16
    %max3A_118 = vector.broadcast %max3A_117 : bf16 to vector<512x1024xbf16>
    %max3A_119 = arith.maximumf %sub3A_116, %max3A_118 : vector<512x1024xbf16>
    %get3A_120 = arith.constant 5120 : index
    %get3A_121 = arith.constant 0 : index
    %get3A_122 = vector.load %arg4[%get3A_120, %get3A_121] : memref<8192x64xbf16, #tpu.memory_space<vmem>>, vector<1024x64xbf16>
    %dot_general3A_123 = arith.constant dense<0.000000e+00> : vector<512x64xf32>
    %dot_general3A_124 = tpu.matmul %max3A_119, %get3A_122, %dot_general3A_123 {dimension_numbers = #tpu.dot_dimension_numbers<[1], [0], [0], [1], [0, 0, 1, 1], [], []>, transpose_lhs_hint = false} : vector<512x1024xbf16>, vector<1024x64xbf16>, vector<512x64xf32> -> vector<512x64xf32>
    %add3A_125 = arith.addf %add3A_107, %dot_general3A_124 : vector<512x64xf32>
    %slice3A_126 = vector.extract_strided_slice %min3A_16 {offsets = [0, 96], sizes = [512, 16], strides = [1, 1]} : vector<512x128xf32> to vector<512x16xf32>
    %tile3A_127 = tpu.concatenate %slice3A_126, %slice3A_126, %slice3A_126, %slice3A_126, %slice3A_126, %slice3A_126, %slice3A_126, %slice3A_126, %slice3A_126, %slice3A_126, %slice3A_126, %slice3A_126, %slice3A_126, %slice3A_126, %slice3A_126, %slice3A_126, %slice3A_126, %slice3A_126, %slice3A_126, %slice3A_126, %slice3A_126, %slice3A_126, %slice3A_126, %slice3A_126, %slice3A_126, %slice3A_126, %slice3A_126, %slice3A_126, %slice3A_126, %slice3A_126, %slice3A_126, %slice3A_126, %slice3A_126, %slice3A_126, %slice3A_126, %slice3A_126, %slice3A_126, %slice3A_126, %slice3A_126, %slice3A_126, %slice3A_126, %slice3A_126, %slice3A_126, %slice3A_126, %slice3A_126, %slice3A_126, %slice3A_126, %slice3A_126, %slice3A_126, %slice3A_126, %slice3A_126, %slice3A_126, %slice3A_126, %slice3A_126, %slice3A_126, %slice3A_126, %slice3A_126, %slice3A_126, %slice3A_126, %slice3A_126, %slice3A_126, %slice3A_126, %slice3A_126, %slice3A_126 in 1 : vector<512x16xf32>, vector<512x16xf32>, vector<512x16xf32>, vector<512x16xf32>, vector<512x16xf32>, vector<512x16xf32>, vector<512x16xf32>, vector<512x16xf32>, vector<512x16xf32>, vector<512x16xf32>, vector<512x16xf32>, vector<512x16xf32>, vector<512x16xf32>, vector<512x16xf32>, vector<512x16xf32>, vector<512x16xf32>, vector<512x16xf32>, vector<512x16xf32>, vector<512x16xf32>, vector<512x16xf32>, vector<512x16xf32>, vector<512x16xf32>, vector<512x16xf32>, vector<512x16xf32>, vector<512x16xf32>, vector<512x16xf32>, vector<512x16xf32>, vector<512x16xf32>, vector<512x16xf32>, vector<512x16xf32>, vector<512x16xf32>, vector<512x16xf32>, vector<512x16xf32>, vector<512x16xf32>, vector<512x16xf32>, vector<512x16xf32>, vector<512x16xf32>, vector<512x16xf32>, vector<512x16xf32>, vector<512x16xf32>, vector<512x16xf32>, vector<512x16xf32>, vector<512x16xf32>, vector<512x16xf32>, vector<512x16xf32>, vector<512x16xf32>, vector<512x16xf32>, vector<512x16xf32>, vector<512x16xf32>, vector<512x16xf32>, vector<512x16xf32>, vector<512x16xf32>, vector<512x16xf32>, vector<512x16xf32>, vector<512x16xf32>, vector<512x16xf32>, vector<512x16xf32>, vector<512x16xf32>, vector<512x16xf32>, vector<512x16xf32>, vector<512x16xf32>, vector<512x16xf32>, vector<512x16xf32>, vector<512x16xf32> -> vector<512x1024xf32>
    %sub3A_128 = vector.broadcast %get3A_24 : vector<1x1024xf32> to vector<512x1024xf32>
    %sub3A_129 = arith.subf %tile3A_127, %sub3A_128 : vector<512x1024xf32>
    %convert_element_type3A_130 = arith.truncf %sub3A_129 : vector<512x1024xf32> to vector<512x1024xbf16>
    %abs3A_131 = math.absf %convert_element_type3A_130 : vector<512x1024xbf16>
    %sub3A_132 = arith.constant 1.000000e+00 : bf16
    %sub3A_133 = vector.broadcast %sub3A_132 : bf16 to vector<512x1024xbf16>
    %sub3A_134 = arith.subf %sub3A_133, %abs3A_131 : vector<512x1024xbf16>
    %max3A_135 = arith.constant 0.000000e+00 : bf16
    %max3A_136 = vector.broadcast %max3A_135 : bf16 to vector<512x1024xbf16>
    %max3A_137 = arith.maximumf %sub3A_134, %max3A_136 : vector<512x1024xbf16>
    %get3A_138 = arith.constant 6144 : index
    %get3A_139 = arith.constant 0 : index
    %get3A_140 = vector.load %arg4[%get3A_138, %get3A_139] : memref<8192x64xbf16, #tpu.memory_space<vmem>>, vector<1024x64xbf16>
    %dot_general3A_141 = arith.constant dense<0.000000e+00> : vector<512x64xf32>
    %dot_general3A_142 = tpu.matmul %max3A_137, %get3A_140, %dot_general3A_141 {dimension_numbers = #tpu.dot_dimension_numbers<[1], [0], [0], [1], [0, 0, 1, 1], [], []>, transpose_lhs_hint = false} : vector<512x1024xbf16>, vector<1024x64xbf16>, vector<512x64xf32> -> vector<512x64xf32>
    %add3A_143 = arith.addf %add3A_125, %dot_general3A_142 : vector<512x64xf32>
    %slice3A_144 = vector.extract_strided_slice %min3A_16 {offsets = [0, 112], sizes = [512, 16], strides = [1, 1]} : vector<512x128xf32> to vector<512x16xf32>
    %tile3A_145 = tpu.concatenate %slice3A_144, %slice3A_144, %slice3A_144, %slice3A_144, %slice3A_144, %slice3A_144, %slice3A_144, %slice3A_144, %slice3A_144, %slice3A_144, %slice3A_144, %slice3A_144, %slice3A_144, %slice3A_144, %slice3A_144, %slice3A_144, %slice3A_144, %slice3A_144, %slice3A_144, %slice3A_144, %slice3A_144, %slice3A_144, %slice3A_144, %slice3A_144, %slice3A_144, %slice3A_144, %slice3A_144, %slice3A_144, %slice3A_144, %slice3A_144, %slice3A_144, %slice3A_144, %slice3A_144, %slice3A_144, %slice3A_144, %slice3A_144, %slice3A_144, %slice3A_144, %slice3A_144, %slice3A_144, %slice3A_144, %slice3A_144, %slice3A_144, %slice3A_144, %slice3A_144, %slice3A_144, %slice3A_144, %slice3A_144, %slice3A_144, %slice3A_144, %slice3A_144, %slice3A_144, %slice3A_144, %slice3A_144, %slice3A_144, %slice3A_144, %slice3A_144, %slice3A_144, %slice3A_144, %slice3A_144, %slice3A_144, %slice3A_144, %slice3A_144, %slice3A_144 in 1 : vector<512x16xf32>, vector<512x16xf32>, vector<512x16xf32>, vector<512x16xf32>, vector<512x16xf32>, vector<512x16xf32>, vector<512x16xf32>, vector<512x16xf32>, vector<512x16xf32>, vector<512x16xf32>, vector<512x16xf32>, vector<512x16xf32>, vector<512x16xf32>, vector<512x16xf32>, vector<512x16xf32>, vector<512x16xf32>, vector<512x16xf32>, vector<512x16xf32>, vector<512x16xf32>, vector<512x16xf32>, vector<512x16xf32>, vector<512x16xf32>, vector<512x16xf32>, vector<512x16xf32>, vector<512x16xf32>, vector<512x16xf32>, vector<512x16xf32>, vector<512x16xf32>, vector<512x16xf32>, vector<512x16xf32>, vector<512x16xf32>, vector<512x16xf32>, vector<512x16xf32>, vector<512x16xf32>, vector<512x16xf32>, vector<512x16xf32>, vector<512x16xf32>, vector<512x16xf32>, vector<512x16xf32>, vector<512x16xf32>, vector<512x16xf32>, vector<512x16xf32>, vector<512x16xf32>, vector<512x16xf32>, vector<512x16xf32>, vector<512x16xf32>, vector<512x16xf32>, vector<512x16xf32>, vector<512x16xf32>, vector<512x16xf32>, vector<512x16xf32>, vector<512x16xf32>, vector<512x16xf32>, vector<512x16xf32>, vector<512x16xf32>, vector<512x16xf32>, vector<512x16xf32>, vector<512x16xf32>, vector<512x16xf32>, vector<512x16xf32>, vector<512x16xf32>, vector<512x16xf32>, vector<512x16xf32>, vector<512x16xf32> -> vector<512x1024xf32>
    %sub3A_146 = vector.broadcast %get3A_24 : vector<1x1024xf32> to vector<512x1024xf32>
    %sub3A_147 = arith.subf %tile3A_145, %sub3A_146 : vector<512x1024xf32>
    %convert_element_type3A_148 = arith.truncf %sub3A_147 : vector<512x1024xf32> to vector<512x1024xbf16>
    %abs3A_149 = math.absf %convert_element_type3A_148 : vector<512x1024xbf16>
    %sub3A_150 = arith.constant 1.000000e+00 : bf16
    %sub3A_151 = vector.broadcast %sub3A_150 : bf16 to vector<512x1024xbf16>
    %sub3A_152 = arith.subf %sub3A_151, %abs3A_149 : vector<512x1024xbf16>
    %max3A_153 = arith.constant 0.000000e+00 : bf16
    %max3A_154 = vector.broadcast %max3A_153 : bf16 to vector<512x1024xbf16>
    %max3A_155 = arith.maximumf %sub3A_152, %max3A_154 : vector<512x1024xbf16>
    %get3A_156 = arith.constant 7168 : index
    %get3A_157 = arith.constant 0 : index
    %get3A_158 = vector.load %arg4[%get3A_156, %get3A_157] : memref<8192x64xbf16, #tpu.memory_space<vmem>>, vector<1024x64xbf16>
    %dot_general3A_159 = arith.constant dense<0.000000e+00> : vector<512x64xf32>
    %dot_general3A_160 = tpu.matmul %max3A_155, %get3A_158, %dot_general3A_159 {dimension_numbers = #tpu.dot_dimension_numbers<[1], [0], [0], [1], [0, 0, 1, 1], [], []>, transpose_lhs_hint = false} : vector<512x1024xbf16>, vector<1024x64xbf16>, vector<512x64xf32> -> vector<512x64xf32>
    %add3A_161 = arith.addf %add3A_143, %dot_general3A_160 : vector<512x64xf32>
    %concatenate3A = tpu.concatenate %min3A_20, %sub3A_21 in 1 : vector<512x128xf32>, vector<512x128xf32> -> vector<512x256xf32>
    %get3A_162 = arith.constant 0 : index
    %get3A_163 = arith.constant 0 : index
    %get3A_164 = vector.load %arg5[%get3A_162, %get3A_163] : memref<256x64xf32, #tpu.memory_space<vmem>>, vector<256x64xf32>
    %dot_general3A_165 = arith.constant dense<0.000000e+00> : vector<512x64xf32>
    %dot_general3A_166 = tpu.matmul %concatenate3A, %get3A_164, %dot_general3A_165 {dimension_numbers = #tpu.dot_dimension_numbers<[1], [0], [0], [1], [0, 0, 1, 1], [], []>, transpose_lhs_hint = false} : vector<512x256xf32>, vector<256x64xf32>, vector<512x64xf32> -> vector<512x64xf32>
    %add3A_167 = arith.addf %add3A_161, %dot_general3A_166 : vector<512x64xf32>
    %get3A_168 = arith.constant 0 : index
    %get3A_169 = arith.constant 0 : index
    %get3A_170 = vector.load %arg6[%get3A_168, %get3A_169] : memref<1x64xf32, #tpu.memory_space<vmem>>, vector<1x64xf32>
    %add3A_171 = vector.broadcast %get3A_170 : vector<1x64xf32> to vector<512x64xf32>
    %add3A_172 = arith.addf %add3A_167, %add3A_171 : vector<512x64xf32>
    %swap3A = arith.constant 0 : index
    %swap3A_173 = arith.constant 0 : index
    %swap3A_174 = vector.load %arg7[%swap3A, %swap3A_173] : memref<512x64xf32, #tpu.memory_space<vmem>>, vector<512x64xf32>
    tpu.vector_store %arg7[%swap3A, %swap3A_173], %add3A_172 {strides = array<i32>} : memref<512x64xf32, #tpu.memory_space<vmem>>, vector<512x64xf32>,
    return
  }
  func.func @transform_0(%arg0: i32) -> (i32, i32) {
    %c0_i32 = arith.constant 0 : i32
    %c0_i32_0 = arith.constant 0 : i32
    return %arg0, %c0_i32 : i32, i32
  }
  func.func @transform_1(%arg0: i32) -> (i32, i32) {
    %c0_i32 = arith.constant 0 : i32
    %c0_i32_0 = arith.constant 0 : i32
    %c0_i32_1 = arith.constant 0 : i32
    return %c0_i32, %c0_i32_0 : i32, i32
  }
  func.func @transform_2(%arg0: i32) -> (i32, i32) {
    %c0_i32 = arith.constant 0 : i32
    %c0_i32_0 = arith.constant 0 : i32
    %c0_i32_1 = arith.constant 0 : i32
    return %c0_i32, %c0_i32_0 : i32, i32
  }
  func.func @transform_3(%arg0: i32) -> (i32, i32) {
    %c0_i32 = arith.constant 0 : i32
    %c0_i32_0 = arith.constant 0 : i32
    %c0_i32_1 = arith.constant 0 : i32
    return %c0_i32, %c0_i32_0 : i32, i32
  }
  func.func @transform_4(%arg0: i32) -> (i32, i32) {
    %c0_i32 = arith.constant 0 : i32
    %c0_i32_0 = arith.constant 0 : i32
    %c0_i32_1 = arith.constant 0 : i32
    return %c0_i32, %c0_i32_0 : i32, i32
  }
  func.func @transform_5(%arg0: i32) -> (i32, i32) {
    %c0_i32 = arith.constant 0 : i32
    %c0_i32_0 = arith.constant 0 : i32
    %c0_i32_1 = arith.constant 0 : i32
    return %c0_i32, %c0_i32_0 : i32, i32
  }
  func.func @transform_6(%arg0: i32) -> (i32, i32) {
    %c0_i32 = arith.constant 0 : i32
    %c0_i32_0 = arith.constant 0 : i32
    return %arg0, %c0_i32 : i32, i32
  }
}

</mosaic_0001>

<sc_bundles>
// kernel: kernel.4.cloned.1.call-start
scs
__scs_entry_jumppad:
0x0: {  	(pc) =	sbr.rel $0x88, $3  }
0x1: {  	(tag) =	ssettag $0x0;
	lr =	simm.s32 $0x1  }
0x2: {  	[smem:$0x3F9D] =	sst lr;
	_ =	strace $0xD0000000  }
0x3: {  	_ = 	snop  }
0x4: {  	_ = 	snop  }
0x5: {  	_ = 	snop  }
0x6: {  	_ = 	snop  }
0x7: {  	_ = 	snop  }
__scs_overlays_trampoline_lowered:
0x8: {  	[smem:$0x3FAC] =	sst s0  }
0x9: {  	[smem:$0x3FAD] =	sst s1  }
0xa: {  	[smem:$0x3FAE] =	sst s2  }
0xb: {  	[smem:$0x3FAF] =	sst s3  }
0xc: {  	[smem:$0x3FB0] =	sst s4  }
0xd: {  	[smem:$0x3FB1] =	sst s5  }
0xe: {  	[smem:$0x3FB2] =	sst s6  }
0xf: {  	[smem:$0x3FB3] =	sst s7  }
0x10: {  	[smem:$0x3FB4] =	sst s8  }
0x11: {  	[smem:$0x3FB5] =	sst s9;
	s0 =	simm.s32 @!p0 $0x0  }
0x12: {  	s1 =	sld [smem:$0x3F9B];
	s0 =	simm.s32 @p0 $0x1  }
0x13: {  	[smem:$0x3FB6] =	sst s0;
	s0 =	simm.s32 @!p1 $0x0  }
0x14: {  	s2 =	sld [smem:$0x3F9A];
	s0 =	simm.s32 @p1 $0x1  }
0x15: {  	[smem:$0x3FB7] =	sst s0;
	s0 =	simm.s32 @!p2 $0x0  }
0x16: {  	s3 =	sld [smem:$0x3FDB];
	s0 =	simm.s32 @p2 $0x1  }
0x17: {  	s4 =	simm.s32 $0x1BF5;
	[smem:$0x3FB9] =	sst s0  }
0x18: {  	s0 =	sld [smem:$0x3F9C];
	_ =	swait.ge [sflag:s4], $0x0  }
0x19: {  	s7 =	sld [smem:$0x3F9D]  }
0x1a: {  	s8 =	sadd.s32 $0xFFFFE003, lr  }
0x1b: {  	s9 =	sadd.s32 $0xFFFFFEF7, lr;
	s5 =	simm.s32 $0xFFFFFFFF;
	p2 =	slt.u32 s8, $0xFFFFF086  }
0x1c: {  	p1 =	slt.u32 s9, $0xF7A;
	s5 =	simm.s32 @!p2 $0x0  }
0x1d: {  	s5 =	simm.s32 @p1 $0x1;
	p0 =	seq.s32 s7, s2  }
0x1e: {  	s7 =	smul.u32 @!p0 $0xF7A, s2;
	p2 =	seq.s32 @!p0 s5, $0x0  }
0x1f: {  	s9 =	smul.u32 $0xF7A, s1;
	s8 =	simm.s32 @!p0 $0x1BF5;
	p2 =	por !p2, p0  }
0x20: {  	[sflag:s8] =	ssyncset.s32 @!p0 $0xFFFFF086;
	s6 =	sadd.s32 @!p0 s3, s7;
	s7 =	simm.s32 @!p0 $0x108  }
0x21: {  	s3 =	sadd.s32 s3, s9;
	s6 =	sadd.s32 @!p0 $0x88, s6;
	s7 =	simm.s32 @p2 $0x1082  }
0x22: {  	[simem:s7], [sflag:s8] =	dma.local @!p0 [hbm:s6], $0xF7A  }
0x23: {  	s9 =	sor.u32 $0xD0000000, s2;
	s6 =	simm.s32 $0x108;
	_ =	swait.ge @!p0 [sflag:s8], $0x0  }
0x24: {  	s3 =	sadd.s32 $0x88, s3;
	s6 =	simm.s32 @!p1 $0x1082;
	[sflag:s4] =	ssyncset.s32 $0xFFFFF086  }
0x25: {  	[simem:s6], [sflag:s4] =	dma.local [hbm:s3], $0xF7A  }
0x26: {  	[smem:$0x3F9D] =	sst s1;
	(tag) =	ssettag s2;
	_ =	strace s9  }
0x27: {  	s1 =	sld [smem:$0x3FAD]  }
0x28: {  	s2 =	sld [smem:$0x3FAE]  }
0x29: {  	s4 =	sld [smem:$0x3FB0]  }
0x2a: {  	p0 =	seq.s32 s5, $0x0;
	s5 =	sld [smem:$0x3FB1]  }
0x2b: {  	s6 =	sld [smem:$0x3FB2]  }
0x2c: {  	s7 =	sld [smem:$0x3FB3]  }
0x2d: {  	s3 =	simm.s32 $0x108;
	s8 =	sld [smem:$0x3FB4]  }
0x2e: {  	s3 =	simm.s32 @!p0 $0x1082;
	s9 =	sld [smem:$0x3FB5]  }
0x2f: {  	lr =	sadd.s32 s0, s3;
	s0 =	sld [smem:$0x3FAC]  }
0x30: {  	s3 =	sld [smem:$0x3FAF]  }
0x31: {  	[smem:$0x3FB8] =	sst s10  }
0x32: {  	s10 =	sld [smem:$0x3FB6];
	_ =	sdelay $0x3  }
0x33: {  	p0 =	seq.s32 s10, $0x1;
	s10 =	sld [smem:$0x3FB8];
	_ =	sdelay $0x3  }
0x34: {  	[smem:$0x3FB8] =	sst s10  }
0x35: {  	s10 =	sld [smem:$0x3FB7];
	_ =	sdelay $0x3  }
0x36: {  	p1 =	seq.s32 s10, $0x1;
	s10 =	sld [smem:$0x3FB8];
	_ =	sdelay $0x3  }
0x37: {  	[smem:$0x3FB8] =	sst s10  }
0x38: {  	s10 =	sld [smem:$0x3FB9]  }
0x39: {  	_ = 	snop;
	(pc) =	sbr.ind lr, $3  }
0x3a: {  	_ = 	snop  }
0x3b: {  	_ = 	snop  }
0x3c: {  	p2 =	seq.s32 s10, $0x1;
	s10 =	sld [smem:$0x3FB8]  }
0x3d: {  	_ =	shalt  }
0x3e: {  	_ =	shalt  }
0x3f: {  	_ =	shalt  }
0x40: {  	_ =	shalt  }
0x41: {  	_ =	shalt  }
0x42: {  	_ =	shalt  }
0x43: {  	_ =	shalt  }
0x44: {  	_ =	shalt  }
0x45: {  	_ =	shalt  }
0x46: {  	_ =	shalt  }
0x47: {  	_ =	shalt  }
0x48: {  	_ =	shalt  }
0x49: {  	_ =	shalt  }
0x4a: {  	_ =	shalt  }
0x4b: {  	_ =	shalt  }
0x4c: {  	_ =	shalt  }
0x4d: {  	_ =	shalt  }
0x4e: {  	_ =	shalt  }
0x4f: {  	_ =	shalt  }
0x50: {  	_ =	shalt  }
0x51: {  	_ =	shalt  }
0x52: {  	_ =	shalt  }
0x53: {  	_ =	shalt  }
0x54: {  	_ =	shalt  }
0x55: {  	_ =	shalt  }
0x56: {  	_ =	shalt  }
0x57: {  	_ =	shalt  }
0x58: {  	_ =	shalt  }
0x59: {  	_ =	shalt  }
0x5a: {  	_ =	shalt  }
0x5b: {  	_ =	shalt  }
0x5c: {  	_ =	shalt  }
0x5d: {  	_ =	shalt  }
0x5e: {  	_ =	shalt  }
0x5f: {  	_ =	shalt  }
0x60: {  	_ =	shalt  }
0x61: {  	_ =	shalt  }
0x62: {  	_ =	shalt  }
0x63: {  	_ =	shalt  }
0x64: {  	_ =	shalt  }
0x65: {  	_ =	shalt  }
0x66: {  	_ =	shalt  }
0x67: {  	_ =	shalt  }
0x68: {  	_ =	shalt  }
0x69: {  	_ =	shalt  }
0x6a: {  	_ =	shalt  }
0x6b: {  	_ =	shalt  }
0x6c: {  	_ =	shalt  }
0x6d: {  	_ =	shalt  }
0x6e: {  	_ =	shalt  }
0x6f: {  	_ =	shalt  }
0x70: {  	_ =	shalt  }
0x71: {  	_ =	shalt  }
0x72: {  	_ =	shalt  }
0x73: {  	_ =	shalt  }
0x74: {  	_ =	shalt  }
0x75: {  	_ =	shalt  }
0x76: {  	_ =	shalt  }
0x77: {  	_ =	shalt  }
0x78: {  	_ =	shalt  }
0x79: {  	_ =	shalt  }
0x7a: {  	_ =	shalt  }
0x7b: {  	_ =	shalt  }
0x7c: {  	_ =	shalt  }
0x7d: {  	_ =	shalt  }
0x7e: {  	_ =	shalt  }
0x7f: {  	_ =	shalt  }
0x80: {  	_ =	shalt  }
0x81: {  	_ =	shalt  }
0x82: {  	_ =	shalt  }
0x83: {  	_ =	shalt  }
0x84: {  	_ =	shalt  }
0x85: {  	_ =	shalt  }
0x86: {  	_ =	shalt  }
0x87: {  	_ =	shalt  }
.Lfunc_end0:
.L_simem_size_0:
called_computation_lowered:
.L_overlay_start_0:
0x88: {  	s2 =	sld [smem:$0x3FD9]  }
0x89: {  	s3 =	sld [smem:$0x3FFE];
	_ =	sdelay $0x1  }
0x8a: {  	s1 =	srdreg.scid  }
0x8b: {  	s0 =	sand.u32 $0x1, s1  }
0x8c: {  	s17 =	sshll.u32 s0, $0xA;
	s2 =	sadd.s32 s3, s2  }
0x8d: {  	s2 =	sadd.s32 s2, s17  }
0x8e: {  	[smem:$0x3FC4] =	sst s2  }
0x8f: {  	_ = 	snop  }
0x90: {  	s2 =	sld [smem:$0x3FC7]  }
0x91: {  	s18 =	sld [smem:$0x3FC6]  }
0x92: {  	s4 =	sld [smem:$0x3FD0];
	(tm) =	ssettm $0x1  }
0x93: {  	s5 =	sld [smem:$0x3FFB];
	_ =	sdelay $0x3  }
0x94: {  	_ =	strace s5  }
0x95: {  	s5 =	sld [smem:$0x3FFC];
	_ =	sdelay $0x3  }
0x96: {  	_ =	strace s5  }
0x97: {  	s5 =	sld [smem:$0x3FFD];
	_ =	sdelay $0x3  }
0x98: {  	_ =	strace s5  }
0x99: {  	_ =	strace $0x8FFFFFFF  }
0x9a: {  	s19 =	sld [smem:$0x3FDB];
	_ =	sdelay $0x1  }
0x9b: {  	s6 =	simm.s32 $_scs_section_size  }
0x9c: {  	s7 =	simm.s32 $_size__tile_overlayer_lowered;
	s8 =	simm.s32 $_tile_overlayer_lowered  }
0x9d: {  	s22 =	simm.s32 $0x1BFF;
	s21 =	sshll.u32 s8, $0x1;
	s5 =	sadd.s32 s6, s19  }
0x9e: {  	s9 =	simm.s32 $0x0;
	s20 =	sshll.u32 s7, $0x1;
	s7 =	sadd.s32 s21, s5  }
0x9f: {  	[timem:s9], [sflag:s22] =	dma.local [hbm:s7], s20  }
0xa0: {  	_ =	swait.ge [sflag:s22], s20  }
0xa1: {  	s6 =	ssub.s32 $0x0, s20;
	[sflag:s22] =	ssyncset.done $0x0  }
0xa2: {  	[sflag:s22] =	ssyncadd.s32 s6;
	_ =	sdelay $0x1  }
0xa3: {  	s23 =	simm.s32 $0x1B8B  }
0xa4: {  	_ =	swait.ge [sflag:s23], $0x1  }
0xa5: {  	[sflag:s23] =	ssyncset.done $0x0  }
0xa6: {  	s25 =	simm.s32 $0x1B8E;
	s24 =	sld [smem:$0x3FFE];
	[sflag:s23] =	ssyncadd.s32 $0xFFFFFFFF  }
0xa7: {  	s26 =	simm.s32 $execute0_lowered;
	[smem:$0x3FD2] =	sst s25  }
0xa8: {  	s7 =	sshll.u32 s26, $0x1;
	_ =	strace $0x80000046;
	[dreg:$0x1] =	wrdreg $0xFFFFFFFF  }
0xa9: {  	s28 =	simm.s32 $_size_execute0_lowered;
	s5 =	sadd.s32 s5, s7;
	[dreg:$0x0] =	wrdreg $0x0  }
0xaa: {  	s7 =	sshll.u32 s28, $0x1;
	[dreg:$0x2] =	wrdreg s5  }
0xab: {  	[dreg:$0x3] =	wrdreg s7  }
0xac: {  	[dreg:$0x4] =	wrdreg $0xC0  }
0xad: {  	_ =	task [dreg:s9], $0x5FFFF  }
0xae: {  	[dreg:$0x1] =	wrdreg $0xFFFFFFFF  }
0xaf: {  	[dreg:$0x0] =	wrdreg $0x60  }
0xb0: {  	[dreg:$0x2] =	wrdreg s24  }
0xb1: {  	[dreg:$0x3] =	wrdreg s18  }
0xb2: {  	[dreg:$0x4] =	wrdreg s2  }
0xb3: {  	[dreg:$0x5] =	wrdreg s4  }
0xb4: {  	[dreg:$0x6] =	wrdreg $0x9  }
0xb5: {  	_ =	task.clear_ibuf [dreg:s9], $0x7FFFF;
	_ =	strace $0x90000046  }
0xb6: {  	s29 =	simm.s32 $0x9;
	_ =	strace $0x80000048  }
0xb7: {  	_ =	swait.ge [sflag:s29], $0x1  }
0xb8: {  	[sflag:s29] =	ssyncadd.s32 $0xFFFFFFFF  }
0xb9: {  	_ =	strace $0x90000048  }
0xba: {  	_ =	sfence  }
0xbb: {  	s30 =	sld [smem:$0x0];
	_ =	sdelay $0x2  }
0xbc: {  	s31 =	sshll.u32 s1, $0xD;
	s1 =	sshrl.u32 s1, $0x2  }
0xbd: {  	s3 =	sand.u32 $0x4000, s31;
	s1 =	sadd.s32 s1, s30  }
0xbe: {  	s0 =	sor.u32 s3, s0;
	s1 =	sshll.u32 s1, $0x11  }
0xbf: {  	s0 =	sor.u32 s1, s0  }
0xc0: {  	s0 =	sadd.s32 $0x8F2B, s0  }
0xc1: {  	[sflag:s0] =	ssyncadd.remote.s32 $0x1  }
0xc2: {  	_ =	sfence.sel $0xFFFF  }
0xc3: {  	[dreg:$0x0] =	wrdreg $0xFFFFFFFF;
	(pc) =	sbr.abs _section_cstart, $3  }
0xc4: {  	[dreg:$0x1] =	wrdreg $0xFFFFFFFF  }
0xc5: {  	_ =	task.clear_ibuf [dreg:s9], $0x2FFFF;
	_ =	strace $0x9FFFFFFF  }
0xc6: {  	(tm) =	ssettm $0x7FFFFFFF  }
0xc7: {  	_ =	shalt  }
tec
execute0_lowered:
.L_overlay_start_1:
0x0: {  	(tag) =	ssettag $0x1  }
0x1: {  	s5 =	rddreg [dreg:$0x0]  }
0x2: {  	s1 =	rddreg [dreg:$0x1]  }
0x3: {  	s2 =	rddreg [dreg:$0x2]  }
0x4: {  	s8 =	rddreg [dreg:$0x3]  }
0x5: {  	s0 =	rddreg [dreg:$0x4]  }
0x6: {  	s4 =	simm.s32 $0x0;
	s3 =	stileid.u32;
	s6 =	srdreg.scid  }
0x7: {  	s17 =	simm.s32 $0x0;
	[smem:$0x7FF] =	sst s4;
	s7 =	sshll.u32 s3, $0x1  }
0x8: {  	s9 =	sshll.u32 s3, $0x9;
	s6 =	sand.u32 $0x1, s6;
	s7 =	sand.u32 $0x6, s7  }
0x9: {  	_ =	strace $0x80000047;
	s9 =	sand.u32 $0x1000, s9;
	s7 =	sor.u32 s6, s7  }
0xa: {  	s6 =	ssub.s32 $0x2, s6;
	s9 =	sadd.s32 s9, s5;
	s10 =	sshll.u32 s7, $0x4  }
0xb: {  	s11 =	sshrl.u32 s6, $0x1;
	s12 =	sshll.u32 s7, $0x3;
	s31 =	sshll.u32 s7, $0x7  }
0xc: {  	s16 =	sshllo.u32 s7, $0x3;
	s7 =	sadd.s32 $0x1200, s9;
	s10 =	sadd.s32 s10, s5  }
0xd: {  	s11 =	ssub.s32 s6, s11;
	s5 =	sand.u32 $0xC, s3;
	s29 =	sor.u32 $0x1, s12;
	v0 =	vmov s12  }
0xe: {  	s13 =	sor.u32 $0x2, s12;
	s14 =	sor.u32 $0x3, s12;
	s15 =	sor.u32 $0x4, s12;
	v7 =	vmov s16;
	v0 =	vbroadcast v0, $0x0;
	v1 =	vmov s29  }
0xf: {  	s30 =	sor.u32 $0x5, s12;
	s12 =	sor.u32 $0x6, s12;
	s8 =	sadd.s32 s8, s31;
	v2 =	vmov s13;
	v3 =	vmov s14;
	v4 =	vmov s15  }
0x10: {  	s16 =	simm.s32 $0x11000;
	s6 =	sadd.s32 $0x3200, s10;
	v5 =	vmov s30;
	s9 =	smax.u32 s11, $0x1;
	v1 =	vbroadcast v1, $0x0;
	v2 =	vbroadcast v2, $0x0  }
0x11: {  	s10 =	simm.s32 $0x80;
	s11 =	simm.s32 $0x400;
	v6 =	vmov s12;
	s12 =	simm.s32 $0x1;
	v3 =	vbroadcast v3, $0x0;
	v4 =	vbroadcast v4, $0x0  }
0x12: {  	v8 =	vimm.s32 $0x0;
	s13 =	simm.s32 $0x11400;
	s14 =	simm.s32 $0x11480;
	s15 =	simm.s32 $0x10000;
	v5 =	vbroadcast v5, $0x0;
	v6 =	vbroadcast v6, $0x0  }
.LBB2_1:
0x13: {  	[tilespmem:s4], [sflag:$0x1] =	stream.strided.gather [hbm4b:s6+s10], $0x10000, s11, s10, $0x38;
	[tilespmem:$0x11500] =	vst v63  }
0x14: {  	_ =	swait.ge [sflag:s12], $0x10000  }
0x15: {  	[sflag:s12] =	ssyncset.done $0x0  }
0x16: {  	[sflag:s12] =	ssyncadd.s32 $0xFFFF0000  }
0x17: {  	[tilespmem:s13], [sflag:$0x1] =	stream.linear.gather [hbm4b:s1+s4], $0x80, $0x38;
	[tilespmem:$0x11500] =	vst v63  }
0x18: {  	_ =	swait.ge [sflag:s12], $0x80  }
0x19: {  	[sflag:s12] =	ssyncset.done $0x0  }
0x1a: {  	[sflag:s12] =	ssyncadd.s32 $0xFFFFFF80  }
0x1b: {  	[tilespmem:s14], [sflag:$0x1] =	stream.linear.gather [hbm4b:s2+s4], $0x80, $0x38;
	[tilespmem:$0x11500] =	vst v63  }
0x1c: {  	_ =	swait.ge [sflag:s12], $0x80  }
0x1d: {  	[sflag:s12] =	ssyncset.done $0x0  }
0x1e: {  	[sflag:s12] =	ssyncadd.s32 $0xFFFFFF80  }
0x1f: {  	v18 =	vld [tilespmem:$0x11400]  }
0x20: {  	v9 =	vld [tilespmem:$0x11430];
	_ =	sdelay $0x3  }
0x21: {  	(v2sf) =	vpush v18, $0x0  }
0x22: {  	(v2sf) =	vpush v9, $0xF;
	_ =	sdelay $0xd  }
0x23: {  	s18 =	spop (v2sf)  }
0x24: {  	s19 =	spop (v2sf)  }
0x25: {  	s18 =	ssub.f32 s19, s18;
	_ =	sdelay $0x1  }
0x26: {  	v9 =	vmov s18  }
0x27: {  	(erf) = vrcp.f32 v9;
	_ =	sdelay $0x2  }
0x28: {  	v10 =	vld.idx.msk [tilespmem:v1+s14+$0x0], $0xffff  }
0x29: {  	v11 =	vld.idx.msk [tilespmem:v2+s14+$0x0], $0xffff  }
0x2a: {  	v12 =	vld.idx.msk [tilespmem:v3+s14+$0x0], $0xffff  }
0x2b: {  	v13 =	vld.idx.msk [tilespmem:v4+s14+$0x0], $0xffff  }
0x2c: {  	v14 =	vld.idx.msk [tilespmem:v5+s14+$0x0], $0xffff  }
0x2d: {  	v15 =	vld.idx.msk [tilespmem:v6+s14+$0x0], $0xffff  }
0x2e: {  	v17 =	vld.idx.msk [tilespmem:v7+s14+$0x0], $0xffff;
	v16 =	vpop (erf)  }
0x2f: {  	v18 =	vbroadcast v18, $0x0;
	s18 =	simm.s32 $0x0;
	v9 =	vld.idx.msk [tilespmem:v0+s14+$0x0], $0xffff;
	v16 =	vmul.f32 $6.300000000e+01, v16  }
.LBB2_2:
0x30: {  	s19 =	sor.u32 s5, s18  }
0x31: {  	s20 =	sshll.u32 s19, $0x4  }
0x32: {  	s20 =	sand.u32 $0x70, s20  }
0x33: {  	s20 =	sadd.s32 s20, s7  }
0x34: {  	[tilespmem:s15], [sflag:$0x1] =	stream.strided.gather [hbm4b:s20+s10], $0x1000, s11, s10, $0x38;
	[tilespmem:$0x11500] =	vst v63  }
0x35: {  	_ =	swait.ge [sflag:s12], $0x1000  }
0x36: {  	p1 =	por $0x1, $0x1;
	[sflag:s12] =	ssyncset.done $0x0  }
0x37: {  	s21 =	simm.s32 $0x0;
	s20 =	simm.s32 $0x0;
	[sflag:s12] =	ssyncadd.s32 $0xFFFFF000  }
.LBB2_3:
0x38: {  	s22 =	sadd.s32 $0x10000, s21  }
0x39: {  	v19 =	vld [tilespmem:s22+$0x0];
	_ =	sdelay $0x4  }
0x3a: {  	v19 =	vsub.f32 v19, v18;
	_ =	sdelay $0x1  }
0x3b: {  	v20 =	vmul.f32 v19, v16;
	_ =	sdelay $0x1  }
0x3c: {  	v19 =	vtrunc.f32 v20  }
0x3d: {  	v21 =	vcvt.f32.s32 v19;
	vm0 =	vgt.f32 v20, v19  }
0x3e: {  	v19 =	vsel vm0, $0x1, v8  }
0x3f: {  	v19 =	vadd.s32 v21, v19  }
0x40: {  	vm13 =	vgt.s32 v19, $0x1  }
0x41: {  	v19 =	vnsel vm13, $0x1, v19  }
0x42: {  	v19 =	vmin.u32 v19, $0x3F  }
0x43: {  	v21 =	vadd.s32 $0xFFFFFFFF, v19;
	v19 =	vor.u32 s20, v19  }
0x44: {  	v26 =	vadd.s32 s20, v21  }
0x45: {  	s23 =	sadd.s32 $0x20, s22;
	v22 =	vadd.s32 $0x81, v26  }
0x46: {  	v23 =	vld [tilespmem:s23+$0x0];
	v27 =	vadd.s32 $0xC0, v26  }
0x47: {  	v24 =	vand.u32 $0xFFFFFF80, v26;
	v34 =	vadd.s32 $0x101, v26  }
0x48: {  	v36 =	vadd.s32 $0x141, v26;
	v25 =	vadd.s32 v21, v24;
	v30 =	vld.idx.msk [tilespmem:v19+s4+$0x0], $0xffff  }
0x49: {  	v28 =	vadd.s32 $0x100, v25;
	v24 =	vld.idx.msk [tilespmem:v26+s4+$0x0], $0xffff  }
0x4a: {  	v29 =	vadd.s32 $0x80, v25;
	v32 =	vld.idx.msk [tilespmem:v22+s4+$0x0], $0xffff  }
0x4b: {  	v31 =	vadd.s32 $0x140, v26;
	v22 =	vsub.f32 v23, v18;
	v19 =	vld.idx.msk [tilespmem:v27+s4+$0x0], $0xffff  }
0x4c: {  	v33 =	vadd.s32 $0x181, v26;
	v34 =	vld.idx.msk [tilespmem:v34+s4+$0x0], $0xffff  }
0x4d: {  	v27 =	vadd.s32 $0x180, v25;
	v36 =	vld.idx.msk [tilespmem:v36+s4+$0x0], $0xffff;
	v35 =	vmul.f32 v22, v16  }
0x4e: {  	v23 =	vld.idx.msk [tilespmem:v28+s4+$0x0], $0xffff  }
0x4f: {  	v62 =	vadd.s32 $0x41, v26;
	v28 =	vadd.s32 $0xC1, v26;
	v25 =	vld.idx.msk [tilespmem:v29+s4+$0x0], $0xffff;
	v29 =	vtrunc.f32 v35  }
0x50: {  	v22 =	vcvt.s32.f32 v21;
	v21 =	vld.idx.msk [tilespmem:v31+s4+$0x0], $0xffff;
	v31 =	vcvt.f32.s32 v29;
	vm14 =	vgt.f32 v35, v29  }
0x51: {  	v37 =	vadd.s32 $0x1C0, v26;
	v29 =	vld.idx.msk [tilespmem:v33+s4+$0x0], $0xffff;
	v61 =	vsel vm14, $0x1, v8  }
0x52: {  	v22 =	vsub.f32 v20, v22;
	v20 =	vld.idx.msk [tilespmem:v27+s4+$0x0], $0xffff;
	v27 =	vadd.s32 $0x1C1, v26;
	v31 =	vadd.s32 v31, v61  }
0x53: {  	v30 =	vsub.f32 v30, v24;
	v26 =	vadd.s32 $0x40, v26;
	vm15 =	vgt.s32 v31, $0x1  }
0x54: {  	v28 =	vld.idx.msk [tilespmem:v28+s4+$0x0], $0xffff;
	v32 =	vsub.f32 v32, v25;
	v31 =	vnsel vm15, $0x1, v31  }
0x55: {  	v45 =	vld.idx.msk [tilespmem:v62+s4+$0x0], $0xffff;
	v39 =	vmul.f32 v22, v30;
	v31 =	vmin.u32 v31, $0x3F  }
0x56: {  	s31 =	simm.s32 $0x200;
	v33 =	vmovc v9;
	v50 =	vsub.f32 v34, v23;
	v42 =	vmul.f32 v22, v32;
	v32 =	vld.idx.msk [tilespmem:v37+s4+$0x0], $0xffff;
	v30 =	vadd.s32 $0xFFFFFFFF, v31  }
0x57: {  	v47 =	vsub.f32 v36, v21;
	v36 =	vmovc v11;
	v38 =	vsub.f32 v29, v20;
	v41 =	vld.idx.msk [tilespmem:v27+s4+$0x0], $0xffff;
	v40 =	vadd.s32 s31, v30  }
0x58: {  	v34 =	vmovc v13;
	v37 =	vld.idx.msk [tilespmem:v26+s4+$0x0], $0xffff;
	v29 =	vmovc v14;
	v46 =	vor.u32 s31, v31;
	v51 =	vcvt.s32.f32 v30;
	v63 =	vand.u32 $0xFFFFFF80, v40  }
0x59: {  	v27 =	vmovc v17;
	v26 =	vmovc v15;
	v43 =	vsub.f32 v28, v19;
	v52 =	vadd.s32 $0x81, v40;
	v48 =	vadd.s32 v30, v63  }
0x5a: {  	p0 =	por p1, p1;
	s22 =	simm.s32 $0x400;
	s23 =	sadd.s32 $0x20, s23;
	v28 =	vmovc v12;
	v31 =	vadd.s32 $0x40, v40;
	v30 =	vmovc v10;
	v44 =	vadd.s32 $0x80, v48;
	v49 =	vadd.s32 $0x100, v48  }
.LBB2_4:
0x5b: {  	v53 =	vld [tilespmem:s23+$0x0];
	p1 =	sne.s32 s22, $0xFE00;
	v51 =	vsub.f32 v35, v51;
	v35 =	vadd.s32 $0xC0, v40;
	v54 =	vadd.s32 $0x101, v40;
	s24 =	smov.u32 s22;
	s22 =	sadd.s32 $0x200, s22  }
0x5c: {  	v55 =	vadd.s32 $0xC1, v40;
	v56 =	vadd.s32 $0x140, v40;
	v50 =	vmul.f32 v22, v50  }
0x5d: {  	v57 =	vadd.s32 $0x1C0, v40;
	v58 =	vadd.s32 $0x1C1, v40;
	v45 =	vsub.f32 v45, v37;
	v46 =	vld.idx.msk [tilespmem:v46+s4+$0x0], $0xffff  }
0x5e: {  	v59 =	vadd.s32 $0x141, v40;
	v48 =	vadd.s32 $0x180, v48;
	v50 =	vadd.f32 v50, v23;
	v52 =	vld.idx.msk [tilespmem:v52+s4+$0x0], $0xffff  }
0x5f: {  	v61 =	vadd.s32 $0x41, v40;
	v25 =	vadd.f32 v42, v25;
	v60 =	vld.idx.msk [tilespmem:v40+s4+$0x0], $0xffff;
	v40 =	vadd.s32 $0x181, v40  }
0x60: {  	v24 =	vadd.f32 v39, v24;
	v39 =	vmul.f32 v47, v22;
	v42 =	vsub.f32 v53, v18;
	v53 =	vld.idx.msk [tilespmem:v35+s4+$0x0], $0xffff  }
0x61: {  	v43 =	vmul.f32 v22, v43;
	v41 =	vsub.f32 v41, v32;
	v36 =	vadd.f32 v25, v36;
	v23 =	vld.idx.msk [tilespmem:v49+s4+$0x0], $0xffff  }
0x62: {  	v39 =	vadd.f32 v39, v21;
	v35 =	vmul.f32 v42, v16;
	v42 =	vmul.f32 v22, v45;
	v21 =	vld.idx.msk [tilespmem:v56+s4+$0x0], $0xffff  }
0x63: {  	v38 =	vmul.f32 v38, v22;
	v41 =	vmul.f32 v41, v22;
	v34 =	vadd.f32 v50, v34;
	v25 =	vld.idx.msk [tilespmem:v44+s4+$0x0], $0xffff  }
0x64: {  	v33 =	vadd.f32 v24, v33;
	v22 =	vmovc v51;
	v44 =	vtrunc.f32 v35;
	v47 =	vld.idx.msk [tilespmem:v40+s4+$0x0], $0xffff;
	v37 =	vadd.f32 v42, v37  }
0x65: {  	v41 =	vadd.f32 v41, v32;
	v24 =	vmovc v60;
	v40 =	vcvt.f32.s32 v44;
	vm0 =	vgt.f32 v35, v44;
	v44 =	vld.idx.msk [tilespmem:v55+s4+$0x0], $0xffff  }
0x66: {  	v43 =	vadd.f32 v43, v19;
	v42 =	vsub.f32 v46, v24;
	v19 =	vmovc v53;
	v32 =	vsel vm0, $0x1, v8;
	v49 =	vld.idx.msk [tilespmem:v54+s4+$0x0], $0xffff  }
0x67: {  	v30 =	vadd.f32 v37, v30;
	v37 =	vadd.f32 v38, v20;
	v32 =	vadd.s32 v40, v32;
	v20 =	vld.idx.msk [tilespmem:v48+s4+$0x0], $0xffff  }
0x68: {  	v28 =	vadd.f32 v43, v28;
	v29 =	vadd.f32 v39, v29;
	vm0 =	vgt.s32 v32, $0x1;
	v53 =	vld.idx.msk [tilespmem:v59+s4+$0x0], $0xffff  }
0x69: {  	v27 =	vadd.f32 v41, v27;
	v40 =	vsub.f32 v52, v25;
	v38 =	vnsel vm0, $0x1, v32;
	v32 =	vld.idx.msk [tilespmem:v57+s4+$0x0], $0xffff  }
0x6a: {  	v39 =	vmul.f32 v22, v42;
	v26 =	vadd.f32 v37, v26;
	v38 =	vmin.u32 v38, $0x3F;
	v45 =	vld.idx.msk [tilespmem:v61+s4+$0x0], $0xffff  }
.Ltmp0:
0x6b: {  	v42 =	vmul.f32 v22, v40;
	v43 =	vadd.s32 $0xFFFFFFFF, v38;
	v46 =	vor.u32 s24, v38;
	v41 =	vld.idx.msk [tilespmem:v58+s4+$0x0], $0xffff;
	(pc) =	sbr.rel @p1 .LBB2_4-.Ltmp0, $4  }
0x6c: {  	v50 =	vsub.f32 v49, v23;
	v51 =	vcvt.s32.f32 v43;
	v40 =	vadd.s32 s24, v43;
	v37 =	vld.idx.msk [tilespmem:v31+s4+$0x0], $0xffff  }
0x6d: {  	v38 =	vsub.f32 v47, v20;
	v48 =	vand.u32 $0xFFFFFF80, v40;
	v52 =	vadd.s32 $0x81, v40  }
0x6e: {  	v31 =	vadd.s32 $0x40, v40;
	v48 =	vadd.s32 v43, v48;
	v43 =	vsub.f32 v44, v19  }
0x6f: {  	s23 =	sadd.s32 $0x20, s23;
	v47 =	vsub.f32 v53, v21;
	v44 =	vadd.s32 $0x80, v48;
	v49 =	vadd.s32 $0x100, v48  }
0x70: {  	_ =	sdelay $0x3  }
0x71: {  	v46 =	vld.idx.msk [tilespmem:v46+s4+$0x0], $0xffff  }
0x72: {  	v53 =	vadd.s32 $0xC0, v40;
	v54 =	vadd.s32 $0x140, v40;
	v52 =	vld.idx.msk [tilespmem:v52+s4+$0x0], $0xffff  }
0x73: {  	v55 =	vld.idx.msk [tilespmem:v40+s4+$0x0], $0xffff;
	v56 =	vadd.s32 $0x181, v40;
	v57 =	vadd.s32 $0xC1, v40;
	v50 =	vmul.f32 v22, v50  }
0x74: {  	v35 =	vsub.f32 v35, v51;
	v51 =	vadd.s32 $0x101, v40;
	v58 =	vadd.s32 $0x41, v40;
	v49 =	vld.idx.msk [tilespmem:v49+s4+$0x0], $0xffff  }
0x75: {  	v59 =	vadd.s32 $0x1C0, v40;
	v48 =	vadd.s32 $0x180, v48;
	v25 =	vadd.f32 v42, v25;
	v42 =	vld.idx.msk [tilespmem:v44+s4+$0x0], $0xffff  }
0x76: {  	v24 =	vadd.f32 v39, v24;
	v41 =	vsub.f32 v41, v32;
	v31 =	vld.idx.msk [tilespmem:v31+s4+$0x0], $0xffff;
	v62 =	vmul.f32 v38, v22  }
0x77: {  	v45 =	vsub.f32 v45, v37;
	v63 =	vmul.f32 v47, v22;
	v23 =	vadd.f32 v50, v23;
	v53 =	vld.idx.msk [tilespmem:v53+s4+$0x0], $0xffff  }
0x78: {  	v60 =	vadd.s32 $0x1C1, v40;
	v25 =	vadd.f32 v25, v36;
	v24 =	vadd.f32 v24, v33;
	v50 =	vld.idx.msk [tilespmem:v54+s4+$0x0], $0xffff  }
0x79: {  	v36 =	vmul.f32 v22, v43;
	v20 =	vadd.f32 v62, v20;
	v21 =	vadd.f32 v63, v21;
	v44 =	vld.idx.msk [tilespmem:v56+s4+$0x0], $0xffff  }
0x7a: {  	v23 =	vadd.f32 v23, v34;
	v54 =	vadd.s32 $0x141, v40;
	v56 =	vmul.f32 v22, v45;
	v45 =	vld.idx.msk [tilespmem:v57+s4+$0x0], $0xffff  }
0x7b: {  	v19 =	vadd.f32 v36, v19;
	v20 =	vadd.f32 v20, v26;
	v57 =	vmul.f32 v41, v22;
	v58 =	vld.idx.msk [tilespmem:v58+s4+$0x0], $0xffff  }
0x7c: {  	v43 =	vsub.f32 v46, v55;
	v46 =	vld.idx.msk [tilespmem:v48+s4+$0x0], $0xffff;
	v48 =	vsub.f32 v52, v42  }
0x7d: {  	v41 =	vld.idx.msk [tilespmem:v51+s4+$0x0], $0xffff;
	v61 =	vadd.f32 v56, v37;
	v63 =	vadd.f32 v57, v32  }
0x7e: {  	v21 =	vadd.f32 v21, v29;
	v51 =	vld.idx.msk [tilespmem:v59+s4+$0x0], $0xffff;
	v19 =	vadd.f32 v19, v28;
	v52 =	vmul.f32 v35, v43  }
0x7f: {  	v57 =	vmul.f32 v35, v48;
	v30 =	vadd.f32 v61, v30;
	v27 =	vadd.f32 v63, v27;
	v47 =	vld.idx.msk [tilespmem:v54+s4+$0x0], $0xffff  }
0x80: {  	v32 =	vadd.f32 v52, v55;
	v54 =	vld.idx.msk [tilespmem:v60+s4+$0x0], $0xffff;
	v56 =	vsub.f32 v58, v31  }
0x81: {  	v26 =	vadd.f32 v57, v42;
	v60 =	vsub.f32 v45, v53  }
0x82: {  	v58 =	vsub.f32 v41, v49;
	v59 =	vsub.f32 v44, v46;
	v36 =	vmul.f32 v35, v56  }
0x83: {  	v24 =	vadd.f32 v32, v24;
	v25 =	vadd.f32 v26, v25;
	v38 =	vmul.f32 v35, v60  }
0x84: {  	v28 =	vmul.f32 v35, v58;
	v31 =	vadd.f32 v36, v31;
	v22 =	vsub.f32 v47, v50  }
0x85: {  	v62 =	vmul.f32 v59, v35;
	v61 =	vadd.f32 v38, v53;
	v33 =	vsub.f32 v54, v51  }
0x86: {  	[tilespmem:s21+$0x11000] =	vst v24;
	v28 =	vadd.f32 v28, v49;
	v30 =	vadd.f32 v31, v30;
	v22 =	vmul.f32 v22, v35  }
0x87: {  	[tilespmem:s21+$0x11100] =	vst v25;
	v26 =	vadd.f32 v62, v46;
	v19 =	vadd.f32 v61, v19;
	v63 =	vmul.f32 v33, v35  }
0x88: {  	v23 =	vadd.f32 v28, v23;
	[tilespmem:s21+$0x11080] =	vst v30;
	v22 =	vadd.f32 v22, v50  }
.Ltmp1:
0x89: {  	[tilespmem:s21+$0x11180] =	vst v19;
	v19 =	vadd.f32 v26, v20;
	v24 =	vadd.f32 v63, v51;
	(pc) =	sbr.rel @p0 .LBB2_3-.Ltmp1, $4  }
0x8a: {  	[tilespmem:s21+$0x11200] =	vst v23;
	v21 =	vadd.f32 v22, v21  }
0x8b: {  	[tilespmem:s21+$0x11300] =	vst v19;
	v20 =	vadd.f32 v24, v27  }
0x8c: {  	[tilespmem:s21+$0x11280] =	vst v21  }
0x8d: {  	p1 =	por $0x0, $0x0;
	[tilespmem:s21+$0x11380] =	vst v20;
	s21 =	simm.s32 $0x10  }
0x8e: {  	s18 =	sadd.s32 $0x1, s18  }
0x8f: {  	s19 =	sshll.u32 s19, $0xA;
	p0 =	sne.s32 s18, $0x4  }
.Ltmp2:
0x90: {  	s19 =	sadd.s32 s19, s8;
	(pc) =	sbr.rel @p0 .LBB2_2-.Ltmp2, $4  }
0x91: {  	[hbm4b:s19+s4] =	stream.linear.scatter [tilespmem:s16], [sflag:$0x1], $0x400, $0x38;
	[tilespmem:$0x11500] =	vst v63  }
0x92: {  	_ =	swait.ge [sflag:s12], $0x400  }
0x93: {  	[sflag:s12] =	ssyncset.done $0x0  }
0x94: {  	[sflag:s12] =	ssyncadd.s32 $0xFFFFFC00  }
0x95: {  	s17 =	sadd.s32 $0x1, s17  }
0x96: {  	p0 =	sne.s32 s17, s9  }
.Ltmp3:
0x97: {  	_ = 	snop;
	(pc) =	sbr.rel @p0 .LBB2_1-.Ltmp3, $1  }
0x98: {  	_ =	sdelay $0x3  }
0x99: {  	_ =	sfence.sel $0x180000  }
0x9a: {  	[bflag:$0x0] =	sbarrier.arrive $0xFFFF  }
0x9b: {  	p0 =	sne.s32 s3, $0x0;
	_ =	strace $0x90000047  }
0x9c: {  	s0 =	sadd.s32 @!p0 $0x100000, s0;
	[bflag:$0x2] =	sbarrier.arrive $0xFFFF  }
0x9d: {  	[sflag:s0] =	ssyncadd.tile.s32 @!p0 $0x1;
	_ =	shalt  }
.Lfunc_end2:
_tile_overlayer_lowered:
.L_overlay_start_2:
0x9e: {  	(tag) =	ssettag $0x2  }
0x9f: {  	s0 =	rddreg [dreg:$0x0];
	s2 =	stileid.u32  }
0xa0: {  	s1 =	rddreg [dreg:$0x1];
	p0 =	sne.s32 s2, $0x0  }
0xa1: {  	s3 =	rddreg [dreg:$0x2];
	[bflag:$0x3] =	sbarrier.arrive $0xFFFF;
	s2 =	simm.s32 @!p0 $0x1C01  }
0xa2: {  	[timem:s3], [sflag:s2] =	dma.local @!p0 [hbm:s0], s1  }
0xa3: {  	s0 =	simm.s32 @!p0 $0x1  }
0xa4: {  	_ =	swait.ge @!p0 [sflag:s0], s1  }
0xa5: {  	s1 =	ssub.s32 @!p0 $0x0, s1;
	[sflag:s0] =	ssyncset.done @!p0 $0x0  }
0xa6: {  	[sflag:s0] =	ssyncadd.s32 @!p0 s1  }
0xa7: {  	[bflag:$0x3] =	sbarrier.arrive $0xFFFF  }
0xa8: {  	_ =	shalt  }

</sc_bundles>
